<compile_context>
chip_gen: v7x
topology: tpu7x:2x2x1
jax: 0.10.2.dev20260603
libtpu: 0.0.44.dev20260713+nightly
codegen_flags: <defaults>
</compile_context>

<pallas_src>
import functools

import jax
import jax.numpy as jnp
import numpy as np
from jax.experimental import pallas as pl

_B = 8
_P = 2048
_ATTR = 3
_OUT = 128
_RATIOS = (0.25, 0.25)
_KNN = (32, 64)
_BN_SCALE = 1.0 / np.sqrt(1.0 + 1e-5)


def _mlp_kernel(*refs, n_layers):
    h = refs[0][...]
    for i in range(n_layers):
        W = refs[1 + 2 * i][...]
        b = refs[2 + 2 * i][...]
        h = jnp.dot(h, W, preferred_element_type=jnp.float32) + b[None, :]
        if i < n_layers - 1:
            h = jax.nn.relu(h * _BN_SCALE)
    refs[-1][...] = h


def _mlp_pallas(params, h, blk=1024):
    n, din = h.shape
    dout = params[-1][0].shape[1]
    n_layers = len(params)
    npad = -n % blk
    if npad:
        h = jnp.pad(h, ((0, npad), (0, 0)))
    grid = (h.shape[0] // blk,)
    in_specs = [pl.BlockSpec((blk, din), lambda i: (i, 0))]
    args = [h]
    for (W, b) in params:
        in_specs.append(pl.BlockSpec(W.shape, lambda i: (0, 0)))
        in_specs.append(pl.BlockSpec(b.shape, lambda i: (0,)))
        args.extend([W, b])
    out = pl.pallas_call(
        functools.partial(_mlp_kernel, n_layers=n_layers),
        grid=grid,
        in_specs=in_specs,
        out_specs=pl.BlockSpec((blk, dout), lambda i: (i, 0)),
        out_shape=jax.ShapeDtypeStruct((h.shape[0], dout), jnp.float32),
    )(*args)
    return out[:n]


def _fps_level(px, py, pz, n_sample, attrs=()):
    Bn, Pn = px.shape
    iota = jax.lax.broadcasted_iota(jnp.int32, (Bn, Pn), 1)
    iota_ns = jax.lax.broadcasted_iota(jnp.int32, (Bn, n_sample), 1)
    first = iota_ns == 0
    q0 = (px[:, 0:1], py[:, 0:1], pz[:, 0:1])
    idx_acc0 = jnp.zeros((Bn, n_sample), dtype=jnp.int32)
    pos_acc0 = tuple(jnp.where(first, q0[c], 0.0) for c in range(3))
    attr_acc0 = tuple(jnp.where(first, a[:, 0:1], 0.0) for a in attrs)

    def body(i, st):
        dists, qx, qy, qz, idx_acc, pos_acc, attr_acc = st
        d = (px - qx) ** 2 + (py - qy) ** 2 + (pz - qz) ** 2
        dists = jnp.minimum(dists, d)
        m = jnp.max(dists, axis=1, keepdims=True)
        sel = jnp.min(jnp.where(dists == m, iota, Pn), axis=1, keepdims=True)
        here = iota_ns == i
        idx_acc = jnp.where(here, sel, idx_acc)
        oh = iota == sel
        nq = tuple(jnp.sum(jnp.where(oh, p, 0.0), axis=1, keepdims=True)
                   for p in (px, py, pz))
        pos_acc = tuple(jnp.where(here, nq[c], pos_acc[c]) for c in range(3))
        attr_acc = tuple(
            jnp.where(here,
                      jnp.sum(jnp.where(oh, a, 0.0), axis=1, keepdims=True),
                      acc)
            for a, acc in zip(attrs, attr_acc))
        return (dists, nq[0], nq[1], nq[2], idx_acc, pos_acc, attr_acc)

    dists0 = jnp.full(px.shape, jnp.inf, dtype=jnp.float32)
    st = jax.lax.fori_loop(
        1, n_sample, body,
        (dists0,) + q0 + (idx_acc0, pos_acc0, attr_acc0))
    return st[4], st[5], st[6]


def _fps2_kernel(posT_ref, xT_ref, idx0_ref, pos1T_ref, xdst1T_ref,
                 idx1_ref, pos2T_ref):
    px, py, pz = posT_ref[0], posT_ref[1], posT_ref[2]
    ax, ay, az = xT_ref[0], xT_ref[1], xT_ref[2]
    idx0, pos1, xdst1 = _fps_level(px, py, pz, _P // 4, (ax, ay, az))
    idx0_ref[...] = idx0
    for c in range(3):
        pos1T_ref[c] = pos1[c]
        xdst1T_ref[c] = xdst1[c]
    idx1, pos2, _ = _fps_level(pos1[0], pos1[1], pos1[2], _P // 16)
    idx1_ref[...] = idx1
    for c in range(3):
        pos2T_ref[c] = pos2[c]


def _fps2(posb, xb):
    posT = posb.transpose(2, 0, 1)
    xT = xb.transpose(2, 0, 1)
    n1, n2 = _P // 4, _P // 16
    out = pl.pallas_call(
        _fps2_kernel,
        out_shape=(
            jax.ShapeDtypeStruct((_B, n1), jnp.int32),
            jax.ShapeDtypeStruct((3, _B, n1), jnp.float32),
            jax.ShapeDtypeStruct((3, _B, n1), jnp.float32),
            jax.ShapeDtypeStruct((_B, n2), jnp.int32),
            jax.ShapeDtypeStruct((3, _B, n2), jnp.float32),
        ),
    )(posT, xT)
    idx0, pos1T, xdst1T, idx1, pos2T = out
    return (idx0, pos1T.transpose(1, 2, 0), xdst1T.transpose(1, 2, 0),
            idx1, pos2T.transpose(1, 2, 0))


def _sa_layer(xb, posb, posq, xdst, k, mlp_p, lin_p):
    Bn = posb.shape[0]
    n_s = posq.shape[1]

    def nbrs(ps, pq):
        d2 = jnp.sum((pq[:, None, :] - ps[None, :, :]) ** 2, axis=-1)
        _, nidx = jax.lax.top_k(-d2, k)
        return nidx

    nidx = jax.vmap(nbrs)(posb, posq)
    x_j = jax.vmap(lambda a, i_: a[i_])(xb, nidx)
    p_j = jax.vmap(lambda a, i_: a[i_])(posb, nidx)
    rel = p_j - posq[:, :, None, :]
    msg = jnp.concatenate([x_j, rel], axis=-1)
    din = msg.shape[-1]
    h = _mlp_pallas(mlp_p, msg.reshape(-1, din)).reshape(Bn, n_s, k, -1)
    agg = jnp.max(h, axis=2)
    Wl, bl = lin_p
    return agg + xdst @ Wl + bl


def _knn_interp(xs, ps, pd, k):
    def one(xs_, ps_, pd_):
        d2 = jnp.sum((pd_[:, None, :] - ps_[None, :, :]) ** 2, axis=-1)
        _, idx = jax.lax.top_k(-d2, k)
        diff = ps_[idx] - pd_[:, None, :]
        d2k = jnp.sum(diff * diff, axis=-1)
        w = 1.0 / jnp.maximum(d2k, 1e-16)
        feats = xs_[idx]
        return jnp.sum(feats * w[..., None], axis=1) / jnp.sum(w, axis=1, keepdims=True)

    return jax.vmap(one)(xs, ps, pd)


def kernel(x, pos, batch, params):
    xb = x.reshape(_B, _P, _ATTR)
    posb = pos.reshape(_B, _P, 3)
    idx0, pos1, xdst1, idx1, pos2 = _fps2(posb, xb)
    x1 = _sa_layer(xb, posb, pos1, xdst1, _KNN[0], params["sa0_mlp"], params["sa0_lin"])
    xdst2 = jnp.take_along_axis(x1, idx1[..., None], axis=1)
    x2 = _sa_layer(x1, pos1, pos2, xdst2, _KNN[1], params["sa1_mlp"], params["sa1_lin"])
    n2 = pos2.shape[1]
    h = _mlp_pallas(params["glob_mlp"], jnp.concatenate([x2, pos2], axis=-1).reshape(-1, 256 + 3))
    xg = jnp.max(h.reshape(_B, n2, 512), axis=1)
    posg = jnp.zeros((_B, 1, 3), dtype=pos.dtype)
    xi = _knn_interp(xg[:, None, :], posg, pos2, 1)
    h = jnp.concatenate([xi, x2], axis=-1)
    h = _mlp_pallas(params["fp0_mlp"], h.reshape(-1, 512 + 256)).reshape(_B, n2, 256)
    xi = _knn_interp(h, pos2, pos1, 3)
    h = jnp.concatenate([xi, x1], axis=-1)
    h = _mlp_pallas(params["fp1_mlp"], h.reshape(-1, 256 + 128)).reshape(_B, pos1.shape[1], 128)
    xi = _knn_interp(h, pos1, posb, 3)
    h = jnp.concatenate([xi, xb], axis=-1)
    h = _mlp_pallas(params["fp2_mlp"], h.reshape(-1, 128 + _ATTR))
    return h.reshape(_B * _P, _OUT)

# --- scband reference (transcript-rebuilt; emitter-appended) ---
"""Pipeline reference for scband-point-encoder-68264210202830 (READ-ONLY COPY).

The authoritative reference and input builder live on the scoring server;
editing this copy changes nothing except your own understanding.
"""

import jax, jax.numpy as jnp
import numpy as np

B = 8
P = 2048
ATTR = 3
OUT = 128
RATIOS = (0.25, 0.25)
KNN = (32, 64)
NEIGH = (1, 3, 3)
BN_SCALE = 1.0 / np.sqrt(1.0 + 1e-5)


def _linear(key, din, dout):
    k1, k2 = jax.random.split(key)
    bound = 1.0 / np.sqrt(din)
    W = jax.random.uniform(k1, (din, dout), minval=-bound, maxval=bound, dtype=jnp.float32)
    b = jax.random.uniform(k2, (dout,), minval=-bound, maxval=bound, dtype=jnp.float32)
    return (W, b)


def _mlp(key, dims):
    keys = jax.random.split(key, len(dims) - 1)
    return [_linear(keys[i], dims[i], dims[i + 1]) for i in range(len(dims) - 1)]


def setup_inputs(seed: int = 0):
    key = jax.random.key(seed)
    ks = jax.random.split(key, 12)
    N = B * P
    x = jax.random.normal(ks[0], (N, ATTR), dtype=jnp.float32)
    pos = jax.random.normal(ks[1], (N, 3), dtype=jnp.float32)
    batch = jnp.repeat(jnp.arange(B, dtype=jnp.int32), P)
    params = {
        "sa0_mlp": _mlp(ks[2], [ATTR + 3, 64, 128]),
        "sa0_lin": _linear(ks[3], ATTR, 128),
        "sa1_mlp": _mlp(ks[4], [128 + 3, 128, 256]),
        "sa1_lin": _linear(ks[5], 128, 256),
        "glob_mlp": _mlp(ks[6], [256 + 3, 256, 512]),
        "fp0_mlp": _mlp(ks[7], [512 + 256, 512, 256]),
        "fp1_mlp": _mlp(ks[8], [256 + 128, 256, 128]),
        "fp2_mlp": _mlp(ks[9], [128 + ATTR, 128, 128, OUT]),
    }
    return {"x": x, "pos": pos, "batch": batch, "params": params}


def mlp_apply(p, h):
    # PyG MLP: Linear -> BatchNorm(eval, fresh running stats => scale 1/sqrt(1+eps)) -> ReLU, plain last layer
    n = len(p)
    for i, (W, b) in enumerate(p):
        h = h @ W + b
        if i < n - 1:
            h = jax.nn.relu(h * BN_SCALE)
    return h


def fps_indices(pos_b, n_sample):
    Pn = pos_b.shape[0]

    def body(i, st):
        dists, idxs = st
        last = idxs[i - 1]
        d = jnp.sum((pos_b - pos_b[last]) ** 2, axis=-1)
        dists = jnp.minimum(dists, d)
        idxs = idxs.at[i].set(jnp.argmax(dists).astype(jnp.int32))
        return (dists, idxs)

    dists0 = jnp.full((Pn,), jnp.inf, dtype=pos_b.dtype)
    idxs0 = jnp.zeros((n_sample,), dtype=jnp.int32)
    _, idxs = jax.lax.fori_loop(1, n_sample, body, (dists0, idxs0))
    return idxs


def sa_layer(xb, posb, ratio, k, mlp_p, lin_p):
    Bn, Pn, _ = posb.shape
    n_s = int(Pn * ratio)
    pos_sg = jax.lax.stop_gradient(posb)
    idx = jax.vmap(lambda p: fps_indices(p, n_s))(pos_sg)
    posq = jnp.take_along_axis(posb, idx[..., None], axis=1)
    xdst = jnp.take_along_axis(xb, idx[..., None], axis=1)

    def nbrs(ps, pq):
        d2 = jnp.sum((pq[:, None, :] - ps[None, :, :]) ** 2, axis=-1)
        _, nidx = jax.lax.top_k(-d2, k)
        return nidx

    nidx = jax.vmap(nbrs)(pos_sg, jax.lax.stop_gradient(posq))
    x_j = jax.vmap(lambda a, i_: a[i_])(xb, nidx)
    p_j = jax.vmap(lambda a, i_: a[i_])(posb, nidx)
    rel = p_j - posq[:, :, None, :]
    msg = jnp.concatenate([x_j, rel], axis=-1)
    din = msg.shape[-1]
    h = mlp_apply(mlp_p, msg.reshape(-1, din)).reshape(Bn, n_s, k, -1)
    agg = jnp.max(h, axis=2)
    Wl, bl = lin_p
    return agg + xdst @ Wl + bl, posq


def knn_interp(xs, ps, pd, k):
    def one(xs_, ps_, pd_):
        d2 = jnp.sum((pd_[:, None, :] - ps_[None, :, :]) ** 2, axis=-1)
        _, idx = jax.lax.top_k(-jax.lax.stop_gradient(d2), k)
        diff = ps_[idx] - pd_[:, None, :]
        d2k = jnp.sum(diff * diff, axis=-1)
        w = 1.0 / jnp.maximum(d2k, 1e-16)
        feats = xs_[idx]
        return jnp.sum(feats * w[..., None], axis=1) / jnp.sum(w, axis=1, keepdims=True)

    return jax.vmap(one)(xs, ps, pd)


def _forward(x, pos, params):
    xb = x.reshape(B, P, ATTR)
    posb = pos.reshape(B, P, 3)
    x1, pos1 = sa_layer(xb, posb, RATIOS[0], KNN[0], params["sa0_mlp"], params["sa0_lin"])
    x2, pos2 = sa_layer(x1, pos1, RATIOS[1], KNN[1], params["sa1_mlp"], params["sa1_lin"])
    n2 = pos2.shape[1]
    h = mlp_apply(params["glob_mlp"], jnp.concatenate([x2, pos2], axis=-1).reshape(-1, 256 + 3))
    xg = jnp.max(h.reshape(B, n2, 512), axis=1)
    posg = jnp.zeros((B, 1, 3), dtype=pos.dtype)
    xi = knn_interp(xg[:, None, :], posg, pos2, NEIGH[0])
    h = jnp.concatenate([xi, x2], axis=-1)
    h = mlp_apply(params["fp0_mlp"], h.reshape(-1, 512 + 256)).reshape(B, n2, 256)
    xi = knn_interp(h, pos2, pos1, NEIGH[1])
    h = jnp.concatenate([xi, x1], axis=-1)
    h = mlp_apply(params["fp1_mlp"], h.reshape(-1, 256 + 128)).reshape(B, pos1.shape[1], 128)
    xi = knn_interp(h, pos1, posb, NEIGH[2])
    h = jnp.concatenate([xi, xb], axis=-1)
    h = mlp_apply(params["fp2_mlp"], h.reshape(-1, 128 + ATTR))
    return h.reshape(B * P, OUT)


def reference(x, pos, batch, params):
    return _forward(x, pos, params)

if __name__ == "__main__":
    import jax
    _d = setup_inputs()
    print(jax.jit(kernel)(*tuple(_d.values())))

</pallas_src>

<mosaic_0001>
module attributes {stable_mosaic.version = 14 : i64} {
  func.func @_fps2_kernel(%arg0: memref<3x8x2048xf32, #tpu.memory_space<vmem>>, %arg1: memref<3x8x2048xf32, #tpu.memory_space<vmem>>, %arg2: memref<8x512xi32, #tpu.memory_space<vmem>>, %arg3: memref<3x8x512xf32, #tpu.memory_space<vmem>>, %arg4: memref<3x8x512xf32, #tpu.memory_space<vmem>>, %arg5: memref<8x128xi32, #tpu.memory_space<vmem>>, %arg6: memref<3x8x128xf32, #tpu.memory_space<vmem>>) attributes {dimension_semantics = [], scalar_prefetch = 0 : i64, scratch_operands = 0 : i64, tpu.core_type = #tpu.core_type<tc>} {
    %get3A = arith.constant 0 : index
    %get3A_0 = arith.constant 0 : index
    %get3A_1 = arith.constant 0 : index
    %get3A_2 = vector.load %arg0[%get3A, %get3A_0, %get3A_1] : memref<3x8x2048xf32, #tpu.memory_space<vmem>>, vector<1x8x2048xf32>
    %get3A_3 = vector.shape_cast %get3A_2 : vector<1x8x2048xf32> to vector<8x2048xf32>
    %get3A_4 = arith.constant 1 : index
    %get3A_5 = arith.constant 0 : index
    %get3A_6 = arith.constant 0 : index
    %get3A_7 = vector.load %arg0[%get3A_4, %get3A_5, %get3A_6] : memref<3x8x2048xf32, #tpu.memory_space<vmem>>, vector<1x8x2048xf32>
    %get3A_8 = vector.shape_cast %get3A_7 : vector<1x8x2048xf32> to vector<8x2048xf32>
    %get3A_9 = arith.constant 2 : index
    %get3A_10 = arith.constant 0 : index
    %get3A_11 = arith.constant 0 : index
    %get3A_12 = vector.load %arg0[%get3A_9, %get3A_10, %get3A_11] : memref<3x8x2048xf32, #tpu.memory_space<vmem>>, vector<1x8x2048xf32>
    %get3A_13 = vector.shape_cast %get3A_12 : vector<1x8x2048xf32> to vector<8x2048xf32>
    %get3A_14 = arith.constant 0 : index
    %get3A_15 = arith.constant 0 : index
    %get3A_16 = arith.constant 0 : index
    %get3A_17 = vector.load %arg1[%get3A_14, %get3A_15, %get3A_16] : memref<3x8x2048xf32, #tpu.memory_space<vmem>>, vector<1x8x2048xf32>
    %get3A_18 = vector.shape_cast %get3A_17 : vector<1x8x2048xf32> to vector<8x2048xf32>
    %get3A_19 = arith.constant 1 : index
    %get3A_20 = arith.constant 0 : index
    %get3A_21 = arith.constant 0 : index
    %get3A_22 = vector.load %arg1[%get3A_19, %get3A_20, %get3A_21] : memref<3x8x2048xf32, #tpu.memory_space<vmem>>, vector<1x8x2048xf32>
    %get3A_23 = vector.shape_cast %get3A_22 : vector<1x8x2048xf32> to vector<8x2048xf32>
    %get3A_24 = arith.constant 2 : index
    %get3A_25 = arith.constant 0 : index
    %get3A_26 = arith.constant 0 : index
    %get3A_27 = vector.load %arg1[%get3A_24, %get3A_25, %get3A_26] : memref<3x8x2048xf32, #tpu.memory_space<vmem>>, vector<1x8x2048xf32>
    %get3A_28 = vector.shape_cast %get3A_27 : vector<1x8x2048xf32> to vector<8x2048xf32>
    %iota3A = tpu.iota {dimensions = array<i32: 1>} : vector<8x2048xi32>
    %iota3A_29 = tpu.iota {dimensions = array<i32: 1>} : vector<8x512xi32>
    %eq3A = arith.constant 0 : i32
    %eq3A_30 = vector.broadcast %eq3A : i32 to vector<8x512xi32>
    %eq3A_31 = arith.cmpi eq, %iota3A_29, %eq3A_30 : vector<8x512xi32>
    %slice3A = vector.extract_strided_slice %get3A_3 {offsets = [0, 0], sizes = [8, 1], strides = [1, 1]} : vector<8x2048xf32> to vector<8x1xf32>
    %slice3A_32 = vector.extract_strided_slice %get3A_8 {offsets = [0, 0], sizes = [8, 1], strides = [1, 1]} : vector<8x2048xf32> to vector<8x1xf32>
    %slice3A_33 = vector.extract_strided_slice %get3A_13 {offsets = [0, 0], sizes = [8, 1], strides = [1, 1]} : vector<8x2048xf32> to vector<8x1xf32>
    %broadcast_in_dim3A = arith.constant 0 : i32
    %broadcast_in_dim3A_34 = vector.broadcast %broadcast_in_dim3A : i32 to vector<8x512xi32>
    %jit3A = arith.constant 0.000000e+00 : f32
    %broadcast_in_dim3A_35 = vector.shape_cast %slice3A : vector<8x1xf32> to vector<8x1xf32>
    %broadcast_in_dim3A_36 = vector.broadcast %broadcast_in_dim3A_35 : vector<8x1xf32> to vector<8x512xf32>
    %broadcast_in_dim3A_37 = vector.broadcast %jit3A : f32 to vector<8x512xf32>
    %select_n3A = arith.select %eq3A_31, %broadcast_in_dim3A_36, %broadcast_in_dim3A_37 : vector<8x512xi1>, vector<8x512xf32>
    %jit3A_38 = arith.constant 0.000000e+00 : f32
    %broadcast_in_dim3A_39 = vector.shape_cast %slice3A_32 : vector<8x1xf32> to vector<8x1xf32>
    %broadcast_in_dim3A_40 = vector.broadcast %broadcast_in_dim3A_39 : vector<8x1xf32> to vector<8x512xf32>
    %broadcast_in_dim3A_41 = vector.broadcast %jit3A_38 : f32 to vector<8x512xf32>
    %select_n3A_42 = arith.select %eq3A_31, %broadcast_in_dim3A_40, %broadcast_in_dim3A_41 : vector<8x512xi1>, vector<8x512xf32>
    %jit3A_43 = arith.constant 0.000000e+00 : f32
    %broadcast_in_dim3A_44 = vector.shape_cast %slice3A_33 : vector<8x1xf32> to vector<8x1xf32>
    %broadcast_in_dim3A_45 = vector.broadcast %broadcast_in_dim3A_44 : vector<8x1xf32> to vector<8x512xf32>
    %broadcast_in_dim3A_46 = vector.broadcast %jit3A_43 : f32 to vector<8x512xf32>
    %select_n3A_47 = arith.select %eq3A_31, %broadcast_in_dim3A_45, %broadcast_in_dim3A_46 : vector<8x512xi1>, vector<8x512xf32>
    %slice3A_48 = vector.extract_strided_slice %get3A_18 {offsets = [0, 0], sizes = [8, 1], strides = [1, 1]} : vector<8x2048xf32> to vector<8x1xf32>
    %jit3A_49 = arith.constant 0.000000e+00 : f32
    %broadcast_in_dim3A_50 = vector.shape_cast %slice3A_48 : vector<8x1xf32> to vector<8x1xf32>
    %broadcast_in_dim3A_51 = vector.broadcast %broadcast_in_dim3A_50 : vector<8x1xf32> to vector<8x512xf32>
    %broadcast_in_dim3A_52 = vector.broadcast %jit3A_49 : f32 to vector<8x512xf32>
    %select_n3A_53 = arith.select %eq3A_31, %broadcast_in_dim3A_51, %broadcast_in_dim3A_52 : vector<8x512xi1>, vector<8x512xf32>
    %slice3A_54 = vector.extract_strided_slice %get3A_23 {offsets = [0, 0], sizes = [8, 1], strides = [1, 1]} : vector<8x2048xf32> to vector<8x1xf32>
    %jit3A_55 = arith.constant 0.000000e+00 : f32
    %broadcast_in_dim3A_56 = vector.shape_cast %slice3A_54 : vector<8x1xf32> to vector<8x1xf32>
    %broadcast_in_dim3A_57 = vector.broadcast %broadcast_in_dim3A_56 : vector<8x1xf32> to vector<8x512xf32>
    %broadcast_in_dim3A_58 = vector.broadcast %jit3A_55 : f32 to vector<8x512xf32>
    %select_n3A_59 = arith.select %eq3A_31, %broadcast_in_dim3A_57, %broadcast_in_dim3A_58 : vector<8x512xi1>, vector<8x512xf32>
    %slice3A_60 = vector.extract_strided_slice %get3A_28 {offsets = [0, 0], sizes = [8, 1], strides = [1, 1]} : vector<8x2048xf32> to vector<8x1xf32>
    %jit3A_61 = arith.constant 0.000000e+00 : f32
    %broadcast_in_dim3A_62 = vector.shape_cast %slice3A_60 : vector<8x1xf32> to vector<8x1xf32>
    %broadcast_in_dim3A_63 = vector.broadcast %broadcast_in_dim3A_62 : vector<8x1xf32> to vector<8x512xf32>
    %broadcast_in_dim3A_64 = vector.broadcast %jit3A_61 : f32 to vector<8x512xf32>
    %select_n3A_65 = arith.select %eq3A_31, %broadcast_in_dim3A_63, %broadcast_in_dim3A_64 : vector<8x512xi1>, vector<8x512xf32>
    %broadcast_in_dim3A_66 = arith.constant 0x7F800000 : f32
    %broadcast_in_dim3A_67 = vector.broadcast %broadcast_in_dim3A_66 : f32 to vector<8x2048xf32>
    %scan3A = arith.constant 1 : i32
    %scan3A_68 = arith.constant 511 : i32
    %scan3A_69 = arith.addi %scan3A, %scan3A_68 : i32
    %scan3A_70 = arith.constant 1 : i32
    %scan3A_71:11 = scf.for %scan3A_165 = %scan3A to %scan3A_69 step %scan3A_70 iter_args(%scan3A_166 = %broadcast_in_dim3A_67, %scan3A_167 = %slice3A, %scan3A_168 = %slice3A_32, %scan3A_169 = %slice3A_33, %scan3A_170 = %broadcast_in_dim3A_34, %scan3A_171 = %select_n3A, %scan3A_172 = %select_n3A_42, %scan3A_173 = %select_n3A_47, %scan3A_174 = %select_n3A_53, %scan3A_175 = %select_n3A_59, %scan3A_176 = %select_n3A_65) -> (vector<8x2048xf32>, vector<8x1xf32>, vector<8x1xf32>, vector<8x1xf32>, vector<8x512xi32>, vector<8x512xf32>, vector<8x512xf32>, vector<8x512xf32>, vector<8x512xf32>, vector<8x512xf32>, vector<8x512xf32>)  : i32 {
      %sub3A = vector.broadcast %scan3A_167 : vector<8x1xf32> to vector<8x2048xf32>
      %sub3A_177 = arith.subf %get3A_3, %sub3A : vector<8x2048xf32>
      %integer_pow3A = arith.mulf %sub3A_177, %sub3A_177 : vector<8x2048xf32>
      %sub3A_178 = vector.broadcast %scan3A_168 : vector<8x1xf32> to vector<8x2048xf32>
      %sub3A_179 = arith.subf %get3A_8, %sub3A_178 : vector<8x2048xf32>
      %integer_pow3A_180 = arith.mulf %sub3A_179, %sub3A_179 : vector<8x2048xf32>
      %add3A = arith.addf %integer_pow3A, %integer_pow3A_180 : vector<8x2048xf32>
      %sub3A_181 = vector.broadcast %scan3A_169 : vector<8x1xf32> to vector<8x2048xf32>
      %sub3A_182 = arith.subf %get3A_13, %sub3A_181 : vector<8x2048xf32>
      %integer_pow3A_183 = arith.mulf %sub3A_182, %sub3A_182 : vector<8x2048xf32>
      %add3A_184 = arith.addf %add3A, %integer_pow3A_183 : vector<8x2048xf32>
      %min3A = arith.minimumf %scan3A_166, %add3A_184 : vector<8x2048xf32>
      %reduce_max3A = arith.constant dense<0xFF800000> : vector<8xf32>
      %reduce_max3A_185 = vector.multi_reduction <maximumf>, %min3A, %reduce_max3A [1] : vector<8x2048xf32> to vector<8xf32>
      %broadcast_in_dim3A_186 = vector.shape_cast %reduce_max3A_185 : vector<8xf32> to vector<8x1xf32>
      %eq3A_187 = vector.broadcast %broadcast_in_dim3A_186 : vector<8x1xf32> to vector<8x2048xf32>
      %eq3A_188 = arith.cmpf oeq, %min3A, %eq3A_187 : vector<8x2048xf32>
      %jit3A_189 = arith.constant 2048 : i32
      %broadcast_in_dim3A_190 = vector.broadcast %jit3A_189 : i32 to vector<8x2048xi32>
      %select_n3A_191 = arith.select %eq3A_188, %iota3A, %broadcast_in_dim3A_190 : vector<8x2048xi1>, vector<8x2048xi32>
      %reduce_min3A = arith.constant dense<2147483647> : vector<8xi32>
      %reduce_min3A_192 = vector.multi_reduction <minsi>, %select_n3A_191, %reduce_min3A [1] : vector<8x2048xi32> to vector<8xi32>
      %broadcast_in_dim3A_193 = vector.shape_cast %reduce_min3A_192 : vector<8xi32> to vector<8x1xi32>
      %eq3A_194 = vector.broadcast %scan3A_165 : i32 to vector<8x512xi32>
      %eq3A_195 = arith.cmpi eq, %iota3A_29, %eq3A_194 : vector<8x512xi32>
      %broadcast_in_dim3A_196 = vector.shape_cast %broadcast_in_dim3A_193 : vector<8x1xi32> to vector<8x1xi32>
      %broadcast_in_dim3A_197 = vector.broadcast %broadcast_in_dim3A_196 : vector<8x1xi32> to vector<8x512xi32>
      %select_n3A_198 = arith.select %eq3A_195, %broadcast_in_dim3A_197, %scan3A_170 : vector<8x512xi1>, vector<8x512xi32>
      %eq3A_199 = vector.broadcast %broadcast_in_dim3A_193 : vector<8x1xi32> to vector<8x2048xi32>
      %eq3A_200 = arith.cmpi eq, %iota3A, %eq3A_199 : vector<8x2048xi32>
      %jit3A_201 = arith.constant 0.000000e+00 : f32
      %broadcast_in_dim3A_202 = vector.broadcast %jit3A_201 : f32 to vector<8x2048xf32>
      %select_n3A_203 = arith.select %eq3A_200, %get3A_3, %broadcast_in_dim3A_202 : vector<8x2048xi1>, vector<8x2048xf32>
      %reduce_sum3A = arith.constant dense<0.000000e+00> : vector<8xf32>
      %reduce_sum3A_204 = vector.multi_reduction <add>, %select_n3A_203, %reduce_sum3A [1] : vector<8x2048xf32> to vector<8xf32>
      %broadcast_in_dim3A_205 = vector.shape_cast %reduce_sum3A_204 : vector<8xf32> to vector<8x1xf32>
      %jit3A_206 = arith.constant 0.000000e+00 : f32
      %broadcast_in_dim3A_207 = vector.broadcast %jit3A_206 : f32 to vector<8x2048xf32>
      %select_n3A_208 = arith.select %eq3A_200, %get3A_8, %broadcast_in_dim3A_207 : vector<8x2048xi1>, vector<8x2048xf32>
      %reduce_sum3A_209 = arith.constant dense<0.000000e+00> : vector<8xf32>
      %reduce_sum3A_210 = vector.multi_reduction <add>, %select_n3A_208, %reduce_sum3A_209 [1] : vector<8x2048xf32> to vector<8xf32>
      %broadcast_in_dim3A_211 = vector.shape_cast %reduce_sum3A_210 : vector<8xf32> to vector<8x1xf32>
      %jit3A_212 = arith.constant 0.000000e+00 : f32
      %broadcast_in_dim3A_213 = vector.broadcast %jit3A_212 : f32 to vector<8x2048xf32>
      %select_n3A_214 = arith.select %eq3A_200, %get3A_13, %broadcast_in_dim3A_213 : vector<8x2048xi1>, vector<8x2048xf32>
      %reduce_sum3A_215 = arith.constant dense<0.000000e+00> : vector<8xf32>
      %reduce_sum3A_216 = vector.multi_reduction <add>, %select_n3A_214, %reduce_sum3A_215 [1] : vector<8x2048xf32> to vector<8xf32>
      %broadcast_in_dim3A_217 = vector.shape_cast %reduce_sum3A_216 : vector<8xf32> to vector<8x1xf32>
      %broadcast_in_dim3A_218 = vector.shape_cast %broadcast_in_dim3A_205 : vector<8x1xf32> to vector<8x1xf32>
      %broadcast_in_dim3A_219 = vector.broadcast %broadcast_in_dim3A_218 : vector<8x1xf32> to vector<8x512xf32>
      %select_n3A_220 = arith.select %eq3A_195, %broadcast_in_dim3A_219, %scan3A_171 : vector<8x512xi1>, vector<8x512xf32>
      %broadcast_in_dim3A_221 = vector.shape_cast %broadcast_in_dim3A_211 : vector<8x1xf32> to vector<8x1xf32>
      %broadcast_in_dim3A_222 = vector.broadcast %broadcast_in_dim3A_221 : vector<8x1xf32> to vector<8x512xf32>
      %select_n3A_223 = arith.select %eq3A_195, %broadcast_in_dim3A_222, %scan3A_172 : vector<8x512xi1>, vector<8x512xf32>
      %broadcast_in_dim3A_224 = vector.shape_cast %broadcast_in_dim3A_217 : vector<8x1xf32> to vector<8x1xf32>
      %broadcast_in_dim3A_225 = vector.broadcast %broadcast_in_dim3A_224 : vector<8x1xf32> to vector<8x512xf32>
      %select_n3A_226 = arith.select %eq3A_195, %broadcast_in_dim3A_225, %scan3A_173 : vector<8x512xi1>, vector<8x512xf32>
      %jit3A_227 = arith.constant 0.000000e+00 : f32
      %broadcast_in_dim3A_228 = vector.broadcast %jit3A_227 : f32 to vector<8x2048xf32>
      %select_n3A_229 = arith.select %eq3A_200, %get3A_18, %broadcast_in_dim3A_228 : vector<8x2048xi1>, vector<8x2048xf32>
      %reduce_sum3A_230 = arith.constant dense<0.000000e+00> : vector<8xf32>
      %reduce_sum3A_231 = vector.multi_reduction <add>, %select_n3A_229, %reduce_sum3A_230 [1] : vector<8x2048xf32> to vector<8xf32>
      %broadcast_in_dim3A_232 = vector.shape_cast %reduce_sum3A_231 : vector<8xf32> to vector<8x1xf32>
      %broadcast_in_dim3A_233 = vector.shape_cast %broadcast_in_dim3A_232 : vector<8x1xf32> to vector<8x1xf32>
      %broadcast_in_dim3A_234 = vector.broadcast %broadcast_in_dim3A_233 : vector<8x1xf32> to vector<8x512xf32>
      %select_n3A_235 = arith.select %eq3A_195, %broadcast_in_dim3A_234, %scan3A_174 : vector<8x512xi1>, vector<8x512xf32>
      %jit3A_236 = arith.constant 0.000000e+00 : f32
      %broadcast_in_dim3A_237 = vector.broadcast %jit3A_236 : f32 to vector<8x2048xf32>
      %select_n3A_238 = arith.select %eq3A_200, %get3A_23, %broadcast_in_dim3A_237 : vector<8x2048xi1>, vector<8x2048xf32>
      %reduce_sum3A_239 = arith.constant dense<0.000000e+00> : vector<8xf32>
      %reduce_sum3A_240 = vector.multi_reduction <add>, %select_n3A_238, %reduce_sum3A_239 [1] : vector<8x2048xf32> to vector<8xf32>
      %broadcast_in_dim3A_241 = vector.shape_cast %reduce_sum3A_240 : vector<8xf32> to vector<8x1xf32>
      %broadcast_in_dim3A_242 = vector.shape_cast %broadcast_in_dim3A_241 : vector<8x1xf32> to vector<8x1xf32>
      %broadcast_in_dim3A_243 = vector.broadcast %broadcast_in_dim3A_242 : vector<8x1xf32> to vector<8x512xf32>
      %select_n3A_244 = arith.select %eq3A_195, %broadcast_in_dim3A_243, %scan3A_175 : vector<8x512xi1>, vector<8x512xf32>
      %jit3A_245 = arith.constant 0.000000e+00 : f32
      %broadcast_in_dim3A_246 = vector.broadcast %jit3A_245 : f32 to vector<8x2048xf32>
      %select_n3A_247 = arith.select %eq3A_200, %get3A_28, %broadcast_in_dim3A_246 : vector<8x2048xi1>, vector<8x2048xf32>
      %reduce_sum3A_248 = arith.constant dense<0.000000e+00> : vector<8xf32>
      %reduce_sum3A_249 = vector.multi_reduction <add>, %select_n3A_247, %reduce_sum3A_248 [1] : vector<8x2048xf32> to vector<8xf32>
      %broadcast_in_dim3A_250 = vector.shape_cast %reduce_sum3A_249 : vector<8xf32> to vector<8x1xf32>
      %broadcast_in_dim3A_251 = vector.shape_cast %broadcast_in_dim3A_250 : vector<8x1xf32> to vector<8x1xf32>
      %broadcast_in_dim3A_252 = vector.broadcast %broadcast_in_dim3A_251 : vector<8x1xf32> to vector<8x512xf32>
      %select_n3A_253 = arith.select %eq3A_195, %broadcast_in_dim3A_252, %scan3A_176 : vector<8x512xi1>, vector<8x512xf32>
      scf.yield %min3A, %broadcast_in_dim3A_205, %broadcast_in_dim3A_211, %broadcast_in_dim3A_217, %select_n3A_198, %select_n3A_220, %select_n3A_223, %select_n3A_226, %select_n3A_235, %select_n3A_244, %select_n3A_253 : vector<8x2048xf32>, vector<8x1xf32>, vector<8x1xf32>, vector<8x1xf32>, vector<8x512xi32>, vector<8x512xf32>, vector<8x512xf32>, vector<8x512xf32>, vector<8x512xf32>, vector<8x512xf32>, vector<8x512xf32>
    }
    %scan3A_72 = arith.constant 511 : i32
    %swap3A = arith.constant 0 : index
    %swap3A_73 = arith.constant 0 : index
    %swap3A_74 = vector.load %arg2[%swap3A, %swap3A_73] : memref<8x512xi32, #tpu.memory_space<vmem>>, vector<8x512xi32>
    tpu.vector_store %arg2[%swap3A, %swap3A_73], %scan3A_71#4 {strides = array<i32>} : memref<8x512xi32, #tpu.memory_space<vmem>>, vector<8x512xi32>,
    %swap3A_75 = arith.constant 0 : index
    %swap3A_76 = arith.constant 0 : index
    %swap3A_77 = arith.constant 0 : index
    %swap3A_78 = vector.load %arg3[%swap3A_75, %swap3A_76, %swap3A_77] : memref<3x8x512xf32, #tpu.memory_space<vmem>>, vector<1x8x512xf32>
    %swap3A_79 = vector.shape_cast %swap3A_78 : vector<1x8x512xf32> to vector<8x512xf32>
    %swap3A_80 = vector.shape_cast %scan3A_71#5 : vector<8x512xf32> to vector<1x8x512xf32>
    tpu.vector_store %arg3[%swap3A_75, %swap3A_76, %swap3A_77], %swap3A_80 {strides = array<i32>} : memref<3x8x512xf32, #tpu.memory_space<vmem>>, vector<1x8x512xf32>,
    %swap3A_81 = arith.constant 0 : index
    %swap3A_82 = arith.constant 0 : index
    %swap3A_83 = arith.constant 0 : index
    %swap3A_84 = vector.load %arg4[%swap3A_81, %swap3A_82, %swap3A_83] : memref<3x8x512xf32, #tpu.memory_space<vmem>>, vector<1x8x512xf32>
    %swap3A_85 = vector.shape_cast %swap3A_84 : vector<1x8x512xf32> to vector<8x512xf32>
    %swap3A_86 = vector.shape_cast %scan3A_71#8 : vector<8x512xf32> to vector<1x8x512xf32>
    tpu.vector_store %arg4[%swap3A_81, %swap3A_82, %swap3A_83], %swap3A_86 {strides = array<i32>} : memref<3x8x512xf32, #tpu.memory_space<vmem>>, vector<1x8x512xf32>,
    %swap3A_87 = arith.constant 1 : index
    %swap3A_88 = arith.constant 0 : index
    %swap3A_89 = arith.constant 0 : index
    %swap3A_90 = vector.load %arg3[%swap3A_87, %swap3A_88, %swap3A_89] : memref<3x8x512xf32, #tpu.memory_space<vmem>>, vector<1x8x512xf32>
    %swap3A_91 = vector.shape_cast %swap3A_90 : vector<1x8x512xf32> to vector<8x512xf32>
    %swap3A_92 = vector.shape_cast %scan3A_71#6 : vector<8x512xf32> to vector<1x8x512xf32>
    tpu.vector_store %arg3[%swap3A_87, %swap3A_88, %swap3A_89], %swap3A_92 {strides = array<i32>} : memref<3x8x512xf32, #tpu.memory_space<vmem>>, vector<1x8x512xf32>,
    %swap3A_93 = arith.constant 1 : index
    %swap3A_94 = arith.constant 0 : index
    %swap3A_95 = arith.constant 0 : index
    %swap3A_96 = vector.load %arg4[%swap3A_93, %swap3A_94, %swap3A_95] : memref<3x8x512xf32, #tpu.memory_space<vmem>>, vector<1x8x512xf32>
    %swap3A_97 = vector.shape_cast %swap3A_96 : vector<1x8x512xf32> to vector<8x512xf32>
    %swap3A_98 = vector.shape_cast %scan3A_71#9 : vector<8x512xf32> to vector<1x8x512xf32>
    tpu.vector_store %arg4[%swap3A_93, %swap3A_94, %swap3A_95], %swap3A_98 {strides = array<i32>} : memref<3x8x512xf32, #tpu.memory_space<vmem>>, vector<1x8x512xf32>,
    %swap3A_99 = arith.constant 2 : index
    %swap3A_100 = arith.constant 0 : index
    %swap3A_101 = arith.constant 0 : index
    %swap3A_102 = vector.load %arg3[%swap3A_99, %swap3A_100, %swap3A_101] : memref<3x8x512xf32, #tpu.memory_space<vmem>>, vector<1x8x512xf32>
    %swap3A_103 = vector.shape_cast %swap3A_102 : vector<1x8x512xf32> to vector<8x512xf32>
    %swap3A_104 = vector.shape_cast %scan3A_71#7 : vector<8x512xf32> to vector<1x8x512xf32>
    tpu.vector_store %arg3[%swap3A_99, %swap3A_100, %swap3A_101], %swap3A_104 {strides = array<i32>} : memref<3x8x512xf32, #tpu.memory_space<vmem>>, vector<1x8x512xf32>,
    %swap3A_105 = arith.constant 2 : index
    %swap3A_106 = arith.constant 0 : index
    %swap3A_107 = arith.constant 0 : index
    %swap3A_108 = vector.load %arg4[%swap3A_105, %swap3A_106, %swap3A_107] : memref<3x8x512xf32, #tpu.memory_space<vmem>>, vector<1x8x512xf32>
    %swap3A_109 = vector.shape_cast %swap3A_108 : vector<1x8x512xf32> to vector<8x512xf32>
    %swap3A_110 = vector.shape_cast %scan3A_71#10 : vector<8x512xf32> to vector<1x8x512xf32>
    tpu.vector_store %arg4[%swap3A_105, %swap3A_106, %swap3A_107], %swap3A_110 {strides = array<i32>} : memref<3x8x512xf32, #tpu.memory_space<vmem>>, vector<1x8x512xf32>,
    %iota3A_111 = tpu.iota {dimensions = array<i32: 1>} : vector<8x512xi32>
    %iota3A_112 = tpu.iota {dimensions = array<i32: 1>} : vector<8x128xi32>
    %eq3A_113 = arith.constant 0 : i32
    %eq3A_114 = vector.broadcast %eq3A_113 : i32 to vector<8x128xi32>
    %eq3A_115 = arith.cmpi eq, %iota3A_112, %eq3A_114 : vector<8x128xi32>
    %slice3A_116 = vector.extract_strided_slice %scan3A_71#5 {offsets = [0, 0], sizes = [8, 1], strides = [1, 1]} : vector<8x512xf32> to vector<8x1xf32>
    %slice3A_117 = vector.extract_strided_slice %scan3A_71#6 {offsets = [0, 0], sizes = [8, 1], strides = [1, 1]} : vector<8x512xf32> to vector<8x1xf32>
    %slice3A_118 = vector.extract_strided_slice %scan3A_71#7 {offsets = [0, 0], sizes = [8, 1], strides = [1, 1]} : vector<8x512xf32> to vector<8x1xf32>
    %broadcast_in_dim3A_119 = arith.constant 0 : i32
    %broadcast_in_dim3A_120 = vector.broadcast %broadcast_in_dim3A_119 : i32 to vector<8x128xi32>
    %jit3A_121 = arith.constant 0.000000e+00 : f32
    %broadcast_in_dim3A_122 = vector.shape_cast %slice3A_116 : vector<8x1xf32> to vector<8x1xf32>
    %broadcast_in_dim3A_123 = vector.broadcast %broadcast_in_dim3A_122 : vector<8x1xf32> to vector<8x128xf32>
    %broadcast_in_dim3A_124 = vector.broadcast %jit3A_121 : f32 to vector<8x128xf32>
    %select_n3A_125 = arith.select %eq3A_115, %broadcast_in_dim3A_123, %broadcast_in_dim3A_124 : vector<8x128xi1>, vector<8x128xf32>
    %jit3A_126 = arith.constant 0.000000e+00 : f32
    %broadcast_in_dim3A_127 = vector.shape_cast %slice3A_117 : vector<8x1xf32> to vector<8x1xf32>
    %broadcast_in_dim3A_128 = vector.broadcast %broadcast_in_dim3A_127 : vector<8x1xf32> to vector<8x128xf32>
    %broadcast_in_dim3A_129 = vector.broadcast %jit3A_126 : f32 to vector<8x128xf32>
    %select_n3A_130 = arith.select %eq3A_115, %broadcast_in_dim3A_128, %broadcast_in_dim3A_129 : vector<8x128xi1>, vector<8x128xf32>
    %jit3A_131 = arith.constant 0.000000e+00 : f32
    %broadcast_in_dim3A_132 = vector.shape_cast %slice3A_118 : vector<8x1xf32> to vector<8x1xf32>
    %broadcast_in_dim3A_133 = vector.broadcast %broadcast_in_dim3A_132 : vector<8x1xf32> to vector<8x128xf32>
    %broadcast_in_dim3A_134 = vector.broadcast %jit3A_131 : f32 to vector<8x128xf32>
    %select_n3A_135 = arith.select %eq3A_115, %broadcast_in_dim3A_133, %broadcast_in_dim3A_134 : vector<8x128xi1>, vector<8x128xf32>
    %broadcast_in_dim3A_136 = arith.constant 0x7F800000 : f32
    %broadcast_in_dim3A_137 = vector.broadcast %broadcast_in_dim3A_136 : f32 to vector<8x512xf32>
    %scan3A_138 = arith.constant 1 : i32
    %scan3A_139 = arith.constant 127 : i32
    %scan3A_140 = arith.addi %scan3A_138, %scan3A_139 : i32
    %scan3A_141 = arith.constant 1 : i32
    %scan3A_142:8 = scf.for %scan3A_165 = %scan3A_138 to %scan3A_140 step %scan3A_141 iter_args(%scan3A_166 = %broadcast_in_dim3A_137, %scan3A_167 = %slice3A_116, %scan3A_168 = %slice3A_117, %scan3A_169 = %slice3A_118, %scan3A_170 = %broadcast_in_dim3A_120, %scan3A_171 = %select_n3A_125, %scan3A_172 = %select_n3A_130, %scan3A_173 = %select_n3A_135) -> (vector<8x512xf32>, vector<8x1xf32>, vector<8x1xf32>, vector<8x1xf32>, vector<8x128xi32>, vector<8x128xf32>, vector<8x128xf32>, vector<8x128xf32>)  : i32 {
      %sub3A = vector.broadcast %scan3A_167 : vector<8x1xf32> to vector<8x512xf32>
      %sub3A_174 = arith.subf %scan3A_71#5, %sub3A : vector<8x512xf32>
      %integer_pow3A = arith.mulf %sub3A_174, %sub3A_174 : vector<8x512xf32>
      %sub3A_175 = vector.broadcast %scan3A_168 : vector<8x1xf32> to vector<8x512xf32>
      %sub3A_176 = arith.subf %scan3A_71#6, %sub3A_175 : vector<8x512xf32>
      %integer_pow3A_177 = arith.mulf %sub3A_176, %sub3A_176 : vector<8x512xf32>
      %add3A = arith.addf %integer_pow3A, %integer_pow3A_177 : vector<8x512xf32>
      %sub3A_178 = vector.broadcast %scan3A_169 : vector<8x1xf32> to vector<8x512xf32>
      %sub3A_179 = arith.subf %scan3A_71#7, %sub3A_178 : vector<8x512xf32>
      %integer_pow3A_180 = arith.mulf %sub3A_179, %sub3A_179 : vector<8x512xf32>
      %add3A_181 = arith.addf %add3A, %integer_pow3A_180 : vector<8x512xf32>
      %min3A = arith.minimumf %scan3A_166, %add3A_181 : vector<8x512xf32>
      %reduce_max3A = arith.constant dense<0xFF800000> : vector<8xf32>
      %reduce_max3A_182 = vector.multi_reduction <maximumf>, %min3A, %reduce_max3A [1] : vector<8x512xf32> to vector<8xf32>
      %broadcast_in_dim3A_183 = vector.shape_cast %reduce_max3A_182 : vector<8xf32> to vector<8x1xf32>
      %eq3A_184 = vector.broadcast %broadcast_in_dim3A_183 : vector<8x1xf32> to vector<8x512xf32>
      %eq3A_185 = arith.cmpf oeq, %min3A, %eq3A_184 : vector<8x512xf32>
      %jit3A_186 = arith.constant 512 : i32
      %broadcast_in_dim3A_187 = vector.broadcast %jit3A_186 : i32 to vector<8x512xi32>
      %select_n3A_188 = arith.select %eq3A_185, %iota3A_111, %broadcast_in_dim3A_187 : vector<8x512xi1>, vector<8x512xi32>
      %reduce_min3A = arith.constant dense<2147483647> : vector<8xi32>
      %reduce_min3A_189 = vector.multi_reduction <minsi>, %select_n3A_188, %reduce_min3A [1] : vector<8x512xi32> to vector<8xi32>
      %broadcast_in_dim3A_190 = vector.shape_cast %reduce_min3A_189 : vector<8xi32> to vector<8x1xi32>
      %eq3A_191 = vector.broadcast %scan3A_165 : i32 to vector<8x128xi32>
      %eq3A_192 = arith.cmpi eq, %iota3A_112, %eq3A_191 : vector<8x128xi32>
      %broadcast_in_dim3A_193 = vector.shape_cast %broadcast_in_dim3A_190 : vector<8x1xi32> to vector<8x1xi32>
      %broadcast_in_dim3A_194 = vector.broadcast %broadcast_in_dim3A_193 : vector<8x1xi32> to vector<8x128xi32>
      %select_n3A_195 = arith.select %eq3A_192, %broadcast_in_dim3A_194, %scan3A_170 : vector<8x128xi1>, vector<8x128xi32>
      %eq3A_196 = vector.broadcast %broadcast_in_dim3A_190 : vector<8x1xi32> to vector<8x512xi32>
      %eq3A_197 = arith.cmpi eq, %iota3A_111, %eq3A_196 : vector<8x512xi32>
      %jit3A_198 = arith.constant 0.000000e+00 : f32
      %broadcast_in_dim3A_199 = vector.broadcast %jit3A_198 : f32 to vector<8x512xf32>
      %select_n3A_200 = arith.select %eq3A_197, %scan3A_71#5, %broadcast_in_dim3A_199 : vector<8x512xi1>, vector<8x512xf32>
      %reduce_sum3A = arith.constant dense<0.000000e+00> : vector<8xf32>
      %reduce_sum3A_201 = vector.multi_reduction <add>, %select_n3A_200, %reduce_sum3A [1] : vector<8x512xf32> to vector<8xf32>
      %broadcast_in_dim3A_202 = vector.shape_cast %reduce_sum3A_201 : vector<8xf32> to vector<8x1xf32>
      %jit3A_203 = arith.constant 0.000000e+00 : f32
      %broadcast_in_dim3A_204 = vector.broadcast %jit3A_203 : f32 to vector<8x512xf32>
      %select_n3A_205 = arith.select %eq3A_197, %scan3A_71#6, %broadcast_in_dim3A_204 : vector<8x512xi1>, vector<8x512xf32>
      %reduce_sum3A_206 = arith.constant dense<0.000000e+00> : vector<8xf32>
      %reduce_sum3A_207 = vector.multi_reduction <add>, %select_n3A_205, %reduce_sum3A_206 [1] : vector<8x512xf32> to vector<8xf32>
      %broadcast_in_dim3A_208 = vector.shape_cast %reduce_sum3A_207 : vector<8xf32> to vector<8x1xf32>
      %jit3A_209 = arith.constant 0.000000e+00 : f32
      %broadcast_in_dim3A_210 = vector.broadcast %jit3A_209 : f32 to vector<8x512xf32>
      %select_n3A_211 = arith.select %eq3A_197, %scan3A_71#7, %broadcast_in_dim3A_210 : vector<8x512xi1>, vector<8x512xf32>
      %reduce_sum3A_212 = arith.constant dense<0.000000e+00> : vector<8xf32>
      %reduce_sum3A_213 = vector.multi_reduction <add>, %select_n3A_211, %reduce_sum3A_212 [1] : vector<8x512xf32> to vector<8xf32>
      %broadcast_in_dim3A_214 = vector.shape_cast %reduce_sum3A_213 : vector<8xf32> to vector<8x1xf32>
      %broadcast_in_dim3A_215 = vector.shape_cast %broadcast_in_dim3A_202 : vector<8x1xf32> to vector<8x1xf32>
      %broadcast_in_dim3A_216 = vector.broadcast %broadcast_in_dim3A_215 : vector<8x1xf32> to vector<8x128xf32>
      %select_n3A_217 = arith.select %eq3A_192, %broadcast_in_dim3A_216, %scan3A_171 : vector<8x128xi1>, vector<8x128xf32>
      %broadcast_in_dim3A_218 = vector.shape_cast %broadcast_in_dim3A_208 : vector<8x1xf32> to vector<8x1xf32>
      %broadcast_in_dim3A_219 = vector.broadcast %broadcast_in_dim3A_218 : vector<8x1xf32> to vector<8x128xf32>
      %select_n3A_220 = arith.select %eq3A_192, %broadcast_in_dim3A_219, %scan3A_172 : vector<8x128xi1>, vector<8x128xf32>
      %broadcast_in_dim3A_221 = vector.shape_cast %broadcast_in_dim3A_214 : vector<8x1xf32> to vector<8x1xf32>
      %broadcast_in_dim3A_222 = vector.broadcast %broadcast_in_dim3A_221 : vector<8x1xf32> to vector<8x128xf32>
      %select_n3A_223 = arith.select %eq3A_192, %broadcast_in_dim3A_222, %scan3A_173 : vector<8x128xi1>, vector<8x128xf32>
      scf.yield %min3A, %broadcast_in_dim3A_202, %broadcast_in_dim3A_208, %broadcast_in_dim3A_214, %select_n3A_195, %select_n3A_217, %select_n3A_220, %select_n3A_223 : vector<8x512xf32>, vector<8x1xf32>, vector<8x1xf32>, vector<8x1xf32>, vector<8x128xi32>, vector<8x128xf32>, vector<8x128xf32>, vector<8x128xf32>
    }
    %scan3A_143 = arith.constant 127 : i32
    %swap3A_144 = arith.constant 0 : index
    %swap3A_145 = arith.constant 0 : index
    %swap3A_146 = vector.load %arg5[%swap3A_144, %swap3A_145] : memref<8x128xi32, #tpu.memory_space<vmem>>, vector<8x128xi32>
    tpu.vector_store %arg5[%swap3A_144, %swap3A_145], %scan3A_142#4 {strides = array<i32>} : memref<8x128xi32, #tpu.memory_space<vmem>>, vector<8x128xi32>,
    %swap3A_147 = arith.constant 0 : index
    %swap3A_148 = arith.constant 0 : index
    %swap3A_149 = arith.constant 0 : index
    %swap3A_150 = vector.load %arg6[%swap3A_147, %swap3A_148, %swap3A_149] : memref<3x8x128xf32, #tpu.memory_space<vmem>>, vector<1x8x128xf32>
    %swap3A_151 = vector.shape_cast %swap3A_150 : vector<1x8x128xf32> to vector<8x128xf32>
    %swap3A_152 = vector.shape_cast %scan3A_142#5 : vector<8x128xf32> to vector<1x8x128xf32>
    tpu.vector_store %arg6[%swap3A_147, %swap3A_148, %swap3A_149], %swap3A_152 {strides = array<i32>} : memref<3x8x128xf32, #tpu.memory_space<vmem>>, vector<1x8x128xf32>,
    %swap3A_153 = arith.constant 1 : index
    %swap3A_154 = arith.constant 0 : index
    %swap3A_155 = arith.constant 0 : index
    %swap3A_156 = vector.load %arg6[%swap3A_153, %swap3A_154, %swap3A_155] : memref<3x8x128xf32, #tpu.memory_space<vmem>>, vector<1x8x128xf32>
    %swap3A_157 = vector.shape_cast %swap3A_156 : vector<1x8x128xf32> to vector<8x128xf32>
    %swap3A_158 = vector.shape_cast %scan3A_142#6 : vector<8x128xf32> to vector<1x8x128xf32>
    tpu.vector_store %arg6[%swap3A_153, %swap3A_154, %swap3A_155], %swap3A_158 {strides = array<i32>} : memref<3x8x128xf32, #tpu.memory_space<vmem>>, vector<1x8x128xf32>,
    %swap3A_159 = arith.constant 2 : index
    %swap3A_160 = arith.constant 0 : index
    %swap3A_161 = arith.constant 0 : index
    %swap3A_162 = vector.load %arg6[%swap3A_159, %swap3A_160, %swap3A_161] : memref<3x8x128xf32, #tpu.memory_space<vmem>>, vector<1x8x128xf32>
    %swap3A_163 = vector.shape_cast %swap3A_162 : vector<1x8x128xf32> to vector<8x128xf32>
    %swap3A_164 = vector.shape_cast %scan3A_142#7 : vector<8x128xf32> to vector<1x8x128xf32>
    tpu.vector_store %arg6[%swap3A_159, %swap3A_160, %swap3A_161], %swap3A_164 {strides = array<i32>} : memref<3x8x128xf32, #tpu.memory_space<vmem>>, vector<1x8x128xf32>,
    return
  }
}

module attributes {stable_mosaic.version = 14 : i64} {
  func.func @_mlp_kernel(%arg0: i32, %arg1: memref<1024x6xf32, #tpu.memory_space<vmem>>, %arg2: memref<6x64xf32, #tpu.memory_space<vmem>>, %arg3: memref<64xf32, #tpu.memory_space<vmem>>, %arg4: memref<64x128xf32, #tpu.memory_space<vmem>>, %arg5: memref<128xf32, #tpu.memory_space<vmem>>, %arg6: memref<1024x128xf32, #tpu.memory_space<vmem>>) attributes {dimension_semantics = [#tpu.dimension_semantics<arbitrary>], iteration_bounds = array<i64: 128>, scalar_prefetch = 0 : i64, scratch_operands = 0 : i64, tpu.core_type = #tpu.core_type<tc>, window_params = [{transform_indices = @transform_0, window_bounds = array<i64: 1024, 6>}, {pipeline_mode = #tpu.pipeline_mode<synchronous>, transform_indices = @transform_1, window_bounds = array<i64: 6, 64>}, {pipeline_mode = #tpu.pipeline_mode<synchronous>, transform_indices = @transform_2, window_bounds = array<i64: 64>}, {pipeline_mode = #tpu.pipeline_mode<synchronous>, transform_indices = @transform_3, window_bounds = array<i64: 64, 128>}, {pipeline_mode = #tpu.pipeline_mode<synchronous>, transform_indices = @transform_4, window_bounds = array<i64: 128>}, {transform_indices = @transform_5, window_bounds = array<i64: 1024, 128>}]} {
    %get3A = arith.constant 0 : index
    %get3A_0 = arith.constant 0 : index
    %get3A_1 = vector.load %arg1[%get3A, %get3A_0] : memref<1024x6xf32, #tpu.memory_space<vmem>>, vector<1024x6xf32>
    %get3A_2 = arith.constant 0 : index
    %get3A_3 = arith.constant 0 : index
    %get3A_4 = vector.load %arg2[%get3A_2, %get3A_3] : memref<6x64xf32, #tpu.memory_space<vmem>>, vector<6x64xf32>
    %get3A_5 = arith.constant 0 : index
    %get3A_6 = vector.load %arg3[%get3A_5] : memref<64xf32, #tpu.memory_space<vmem>>, vector<64xf32>
    %dot_general3A = arith.constant dense<0.000000e+00> : vector<1024x64xf32>
    %dot_general3A_7 = tpu.matmul %get3A_1, %get3A_4, %dot_general3A {dimension_numbers = #tpu.dot_dimension_numbers<[1], [0], [0], [1], [0, 0, 1, 1], [], []>, transpose_lhs_hint = false} : vector<1024x6xf32>, vector<6x64xf32>, vector<1024x64xf32> -> vector<1024x64xf32>
    %broadcast_in_dim3A = vector.shape_cast %get3A_6 : vector<64xf32> to vector<1x64xf32>
    %add3A = vector.broadcast %broadcast_in_dim3A : vector<1x64xf32> to vector<1024x64xf32>
    %add3A_8 = arith.addf %dot_general3A_7, %add3A : vector<1024x64xf32>
    %mul3A = arith.constant 0.999994993 : f32
    %mul3A_9 = vector.broadcast %mul3A : f32 to vector<1024x64xf32>
    %mul3A_10 = arith.mulf %add3A_8, %mul3A_9 : vector<1024x64xf32>
    %max3A = arith.constant 0.000000e+00 : f32
    %max3A_11 = vector.broadcast %max3A : f32 to vector<1024x64xf32>
    %max3A_12 = arith.maximumf %mul3A_10, %max3A_11 : vector<1024x64xf32>
    %get3A_13 = arith.constant 0 : index
    %get3A_14 = arith.constant 0 : index
    %get3A_15 = vector.load %arg4[%get3A_13, %get3A_14] : memref<64x128xf32, #tpu.memory_space<vmem>>, vector<64x128xf32>
    %get3A_16 = arith.constant 0 : index
    %get3A_17 = vector.load %arg5[%get3A_16] : memref<128xf32, #tpu.memory_space<vmem>>, vector<128xf32>
    %dot_general3A_18 = arith.constant dense<0.000000e+00> : vector<1024x128xf32>
    %dot_general3A_19 = tpu.matmul %max3A_12, %get3A_15, %dot_general3A_18 {dimension_numbers = #tpu.dot_dimension_numbers<[1], [0], [0], [1], [0, 0, 1, 1], [], []>, transpose_lhs_hint = false} : vector<1024x64xf32>, vector<64x128xf32>, vector<1024x128xf32> -> vector<1024x128xf32>
    %broadcast_in_dim3A_20 = vector.shape_cast %get3A_17 : vector<128xf32> to vector<1x128xf32>
    %add3A_21 = vector.broadcast %broadcast_in_dim3A_20 : vector<1x128xf32> to vector<1024x128xf32>
    %add3A_22 = arith.addf %dot_general3A_19, %add3A_21 : vector<1024x128xf32>
    %swap3A = arith.constant 0 : index
    %swap3A_23 = arith.constant 0 : index
    %swap3A_24 = vector.load %arg6[%swap3A, %swap3A_23] : memref<1024x128xf32, #tpu.memory_space<vmem>>, vector<1024x128xf32>
    tpu.vector_store %arg6[%swap3A, %swap3A_23], %add3A_22 {strides = array<i32>} : memref<1024x128xf32, #tpu.memory_space<vmem>>, vector<1024x128xf32>,
    return
  }
  func.func @transform_0(%arg0: i32) -> (i32, i32) {
    %c0_i32 = arith.constant 0 : i32
    %c0_i32_0 = arith.constant 0 : i32
    return %arg0, %c0_i32 : i32, i32
  }
  func.func @transform_1(%arg0: i32) -> (i32, i32) {
    %c0_i32 = arith.constant 0 : i32
    %c0_i32_0 = arith.constant 0 : i32
    %c0_i32_1 = arith.constant 0 : i32
    return %c0_i32, %c0_i32_0 : i32, i32
  }
  func.func @transform_2(%arg0: i32) -> i32 {
    %c0_i32 = arith.constant 0 : i32
    %c0_i32_0 = arith.constant 0 : i32
    return %c0_i32 : i32
  }
  func.func @transform_3(%arg0: i32) -> (i32, i32) {
    %c0_i32 = arith.constant 0 : i32
    %c0_i32_0 = arith.constant 0 : i32
    %c0_i32_1 = arith.constant 0 : i32
    return %c0_i32, %c0_i32_0 : i32, i32
  }
  func.func @transform_4(%arg0: i32) -> i32 {
    %c0_i32 = arith.constant 0 : i32
    %c0_i32_0 = arith.constant 0 : i32
    return %c0_i32 : i32
  }
  func.func @transform_5(%arg0: i32) -> (i32, i32) {
    %c0_i32 = arith.constant 0 : i32
    %c0_i32_0 = arith.constant 0 : i32
    return %arg0, %c0_i32 : i32, i32
  }
}

module attributes {stable_mosaic.version = 14 : i64} {
  func.func @_mlp_kernel(%arg0: i32, %arg1: memref<1024x131xf32, #tpu.memory_space<vmem>>, %arg2: memref<131x128xf32, #tpu.memory_space<vmem>>, %arg3: memref<128xf32, #tpu.memory_space<vmem>>, %arg4: memref<128x256xf32, #tpu.memory_space<vmem>>, %arg5: memref<256xf32, #tpu.memory_space<vmem>>, %arg6: memref<1024x256xf32, #tpu.memory_space<vmem>>) attributes {dimension_semantics = [#tpu.dimension_semantics<arbitrary>], iteration_bounds = array<i64: 64>, scalar_prefetch = 0 : i64, scratch_operands = 0 : i64, tpu.core_type = #tpu.core_type<tc>, window_params = [{transform_indices = @transform_0, window_bounds = array<i64: 1024, 131>}, {pipeline_mode = #tpu.pipeline_mode<synchronous>, transform_indices = @transform_1, window_bounds = array<i64: 131, 128>}, {pipeline_mode = #tpu.pipeline_mode<synchronous>, transform_indices = @transform_2, window_bounds = array<i64: 128>}, {pipeline_mode = #tpu.pipeline_mode<synchronous>, transform_indices = @transform_3, window_bounds = array<i64: 128, 256>}, {pipeline_mode = #tpu.pipeline_mode<synchronous>, transform_indices = @transform_4, window_bounds = array<i64: 256>}, {transform_indices = @transform_5, window_bounds = array<i64: 1024, 256>}]} {
    %get3A = arith.constant 0 : index
    %get3A_0 = arith.constant 0 : index
    %get3A_1 = vector.load %arg1[%get3A, %get3A_0] : memref<1024x131xf32, #tpu.memory_space<vmem>>, vector<1024x131xf32>
    %get3A_2 = arith.constant 0 : index
    %get3A_3 = arith.constant 0 : index
    %get3A_4 = vector.load %arg2[%get3A_2, %get3A_3] : memref<131x128xf32, #tpu.memory_space<vmem>>, vector<131x128xf32>
    %get3A_5 = arith.constant 0 : index
    %get3A_6 = vector.load %arg3[%get3A_5] : memref<128xf32, #tpu.memory_space<vmem>>, vector<128xf32>
    %dot_general3A = arith.constant dense<0.000000e+00> : vector<1024x128xf32>
    %dot_general3A_7 = tpu.matmul %get3A_1, %get3A_4, %dot_general3A {dimension_numbers = #tpu.dot_dimension_numbers<[1], [0], [0], [1], [0, 0, 1, 1], [], []>, transpose_lhs_hint = false} : vector<1024x131xf32>, vector<131x128xf32>, vector<1024x128xf32> -> vector<1024x128xf32>
    %broadcast_in_dim3A = vector.shape_cast %get3A_6 : vector<128xf32> to vector<1x128xf32>
    %add3A = vector.broadcast %broadcast_in_dim3A : vector<1x128xf32> to vector<1024x128xf32>
    %add3A_8 = arith.addf %dot_general3A_7, %add3A : vector<1024x128xf32>
    %mul3A = arith.constant 0.999994993 : f32
    %mul3A_9 = vector.broadcast %mul3A : f32 to vector<1024x128xf32>
    %mul3A_10 = arith.mulf %add3A_8, %mul3A_9 : vector<1024x128xf32>
    %max3A = arith.constant 0.000000e+00 : f32
    %max3A_11 = vector.broadcast %max3A : f32 to vector<1024x128xf32>
    %max3A_12 = arith.maximumf %mul3A_10, %max3A_11 : vector<1024x128xf32>
    %get3A_13 = arith.constant 0 : index
    %get3A_14 = arith.constant 0 : index
    %get3A_15 = vector.load %arg4[%get3A_13, %get3A_14] : memref<128x256xf32, #tpu.memory_space<vmem>>, vector<128x256xf32>
    %get3A_16 = arith.constant 0 : index
    %get3A_17 = vector.load %arg5[%get3A_16] : memref<256xf32, #tpu.memory_space<vmem>>, vector<256xf32>
    %dot_general3A_18 = arith.constant dense<0.000000e+00> : vector<1024x256xf32>
    %dot_general3A_19 = tpu.matmul %max3A_12, %get3A_15, %dot_general3A_18 {dimension_numbers = #tpu.dot_dimension_numbers<[1], [0], [0], [1], [0, 0, 1, 1], [], []>, transpose_lhs_hint = false} : vector<1024x128xf32>, vector<128x256xf32>, vector<1024x256xf32> -> vector<1024x256xf32>
    %broadcast_in_dim3A_20 = vector.shape_cast %get3A_17 : vector<256xf32> to vector<1x256xf32>
    %add3A_21 = vector.broadcast %broadcast_in_dim3A_20 : vector<1x256xf32> to vector<1024x256xf32>
    %add3A_22 = arith.addf %dot_general3A_19, %add3A_21 : vector<1024x256xf32>
    %swap3A = arith.constant 0 : index
    %swap3A_23 = arith.constant 0 : index
    %swap3A_24 = vector.load %arg6[%swap3A, %swap3A_23] : memref<1024x256xf32, #tpu.memory_space<vmem>>, vector<1024x256xf32>
    tpu.vector_store %arg6[%swap3A, %swap3A_23], %add3A_22 {strides = array<i32>} : memref<1024x256xf32, #tpu.memory_space<vmem>>, vector<1024x256xf32>,
    return
  }
  func.func @transform_0(%arg0: i32) -> (i32, i32) {
    %c0_i32 = arith.constant 0 : i32
    %c0_i32_0 = arith.constant 0 : i32
    return %arg0, %c0_i32 : i32, i32
  }
  func.func @transform_1(%arg0: i32) -> (i32, i32) {
    %c0_i32 = arith.constant 0 : i32
    %c0_i32_0 = arith.constant 0 : i32
    %c0_i32_1 = arith.constant 0 : i32
    return %c0_i32, %c0_i32_0 : i32, i32
  }
  func.func @transform_2(%arg0: i32) -> i32 {
    %c0_i32 = arith.constant 0 : i32
    %c0_i32_0 = arith.constant 0 : i32
    return %c0_i32 : i32
  }
  func.func @transform_3(%arg0: i32) -> (i32, i32) {
    %c0_i32 = arith.constant 0 : i32
    %c0_i32_0 = arith.constant 0 : i32
    %c0_i32_1 = arith.constant 0 : i32
    return %c0_i32, %c0_i32_0 : i32, i32
  }
  func.func @transform_4(%arg0: i32) -> i32 {
    %c0_i32 = arith.constant 0 : i32
    %c0_i32_0 = arith.constant 0 : i32
    return %c0_i32 : i32
  }
  func.func @transform_5(%arg0: i32) -> (i32, i32) {
    %c0_i32 = arith.constant 0 : i32
    %c0_i32_0 = arith.constant 0 : i32
    return %arg0, %c0_i32 : i32, i32
  }
}

module attributes {stable_mosaic.version = 14 : i64} {
  func.func @_mlp_kernel(%arg0: i32, %arg1: memref<1024x259xf32, #tpu.memory_space<vmem>>, %arg2: memref<259x256xf32, #tpu.memory_space<vmem>>, %arg3: memref<256xf32, #tpu.memory_space<vmem>>, %arg4: memref<256x512xf32, #tpu.memory_space<vmem>>, %arg5: memref<512xf32, #tpu.memory_space<vmem>>, %arg6: memref<1024x512xf32, #tpu.memory_space<vmem>>) attributes {dimension_semantics = [#tpu.dimension_semantics<arbitrary>], iteration_bounds = array<i64: 1>, scalar_prefetch = 0 : i64, scratch_operands = 0 : i64, tpu.core_type = #tpu.core_type<tc>, window_params = [{transform_indices = @transform_0, window_bounds = array<i64: 1024, 259>}, {pipeline_mode = #tpu.pipeline_mode<synchronous>, transform_indices = @transform_1, window_bounds = array<i64: 259, 256>}, {pipeline_mode = #tpu.pipeline_mode<synchronous>, transform_indices = @transform_2, window_bounds = array<i64: 256>}, {pipeline_mode = #tpu.pipeline_mode<synchronous>, transform_indices = @transform_3, window_bounds = array<i64: 256, 512>}, {pipeline_mode = #tpu.pipeline_mode<synchronous>, transform_indices = @transform_4, window_bounds = array<i64: 512>}, {transform_indices = @transform_5, window_bounds = array<i64: 1024, 512>}]} {
    %get3A = arith.constant 0 : index
    %get3A_0 = arith.constant 0 : index
    %get3A_1 = vector.load %arg1[%get3A, %get3A_0] : memref<1024x259xf32, #tpu.memory_space<vmem>>, vector<1024x259xf32>
    %get3A_2 = arith.constant 0 : index
    %get3A_3 = arith.constant 0 : index
    %get3A_4 = vector.load %arg2[%get3A_2, %get3A_3] : memref<259x256xf32, #tpu.memory_space<vmem>>, vector<259x256xf32>
    %get3A_5 = arith.constant 0 : index
    %get3A_6 = vector.load %arg3[%get3A_5] : memref<256xf32, #tpu.memory_space<vmem>>, vector<256xf32>
    %dot_general3A = arith.constant dense<0.000000e+00> : vector<1024x256xf32>
    %dot_general3A_7 = tpu.matmul %get3A_1, %get3A_4, %dot_general3A {dimension_numbers = #tpu.dot_dimension_numbers<[1], [0], [0], [1], [0, 0, 1, 1], [], []>, transpose_lhs_hint = false} : vector<1024x259xf32>, vector<259x256xf32>, vector<1024x256xf32> -> vector<1024x256xf32>
    %broadcast_in_dim3A = vector.shape_cast %get3A_6 : vector<256xf32> to vector<1x256xf32>
    %add3A = vector.broadcast %broadcast_in_dim3A : vector<1x256xf32> to vector<1024x256xf32>
    %add3A_8 = arith.addf %dot_general3A_7, %add3A : vector<1024x256xf32>
    %mul3A = arith.constant 0.999994993 : f32
    %mul3A_9 = vector.broadcast %mul3A : f32 to vector<1024x256xf32>
    %mul3A_10 = arith.mulf %add3A_8, %mul3A_9 : vector<1024x256xf32>
    %max3A = arith.constant 0.000000e+00 : f32
    %max3A_11 = vector.broadcast %max3A : f32 to vector<1024x256xf32>
    %max3A_12 = arith.maximumf %mul3A_10, %max3A_11 : vector<1024x256xf32>
    %get3A_13 = arith.constant 0 : index
    %get3A_14 = arith.constant 0 : index
    %get3A_15 = vector.load %arg4[%get3A_13, %get3A_14] : memref<256x512xf32, #tpu.memory_space<vmem>>, vector<256x512xf32>
    %get3A_16 = arith.constant 0 : index
    %get3A_17 = vector.load %arg5[%get3A_16] : memref<512xf32, #tpu.memory_space<vmem>>, vector<512xf32>
    %dot_general3A_18 = arith.constant dense<0.000000e+00> : vector<1024x512xf32>
    %dot_general3A_19 = tpu.matmul %max3A_12, %get3A_15, %dot_general3A_18 {dimension_numbers = #tpu.dot_dimension_numbers<[1], [0], [0], [1], [0, 0, 1, 1], [], []>, transpose_lhs_hint = false} : vector<1024x256xf32>, vector<256x512xf32>, vector<1024x512xf32> -> vector<1024x512xf32>
    %broadcast_in_dim3A_20 = vector.shape_cast %get3A_17 : vector<512xf32> to vector<1x512xf32>
    %add3A_21 = vector.broadcast %broadcast_in_dim3A_20 : vector<1x512xf32> to vector<1024x512xf32>
    %add3A_22 = arith.addf %dot_general3A_19, %add3A_21 : vector<1024x512xf32>
    %swap3A = arith.constant 0 : index
    %swap3A_23 = arith.constant 0 : index
    %swap3A_24 = vector.load %arg6[%swap3A, %swap3A_23] : memref<1024x512xf32, #tpu.memory_space<vmem>>, vector<1024x512xf32>
    tpu.vector_store %arg6[%swap3A, %swap3A_23], %add3A_22 {strides = array<i32>} : memref<1024x512xf32, #tpu.memory_space<vmem>>, vector<1024x512xf32>,
    return
  }
  func.func @transform_0(%arg0: i32) -> (i32, i32) {
    %c0_i32 = arith.constant 0 : i32
    %c0_i32_0 = arith.constant 0 : i32
    return %arg0, %c0_i32 : i32, i32
  }
  func.func @transform_1(%arg0: i32) -> (i32, i32) {
    %c0_i32 = arith.constant 0 : i32
    %c0_i32_0 = arith.constant 0 : i32
    %c0_i32_1 = arith.constant 0 : i32
    return %c0_i32, %c0_i32_0 : i32, i32
  }
  func.func @transform_2(%arg0: i32) -> i32 {
    %c0_i32 = arith.constant 0 : i32
    %c0_i32_0 = arith.constant 0 : i32
    return %c0_i32 : i32
  }
  func.func @transform_3(%arg0: i32) -> (i32, i32) {
    %c0_i32 = arith.constant 0 : i32
    %c0_i32_0 = arith.constant 0 : i32
    %c0_i32_1 = arith.constant 0 : i32
    return %c0_i32, %c0_i32_0 : i32, i32
  }
  func.func @transform_4(%arg0: i32) -> i32 {
    %c0_i32 = arith.constant 0 : i32
    %c0_i32_0 = arith.constant 0 : i32
    return %c0_i32 : i32
  }
  func.func @transform_5(%arg0: i32) -> (i32, i32) {
    %c0_i32 = arith.constant 0 : i32
    %c0_i32_0 = arith.constant 0 : i32
    return %arg0, %c0_i32 : i32, i32
  }
}

module attributes {stable_mosaic.version = 14 : i64} {
  func.func @_mlp_kernel(%arg0: i32, %arg1: memref<1024x768xf32, #tpu.memory_space<vmem>>, %arg2: memref<768x512xf32, #tpu.memory_space<vmem>>, %arg3: memref<512xf32, #tpu.memory_space<vmem>>, %arg4: memref<512x256xf32, #tpu.memory_space<vmem>>, %arg5: memref<256xf32, #tpu.memory_space<vmem>>, %arg6: memref<1024x256xf32, #tpu.memory_space<vmem>>) attributes {dimension_semantics = [#tpu.dimension_semantics<arbitrary>], iteration_bounds = array<i64: 1>, scalar_prefetch = 0 : i64, scratch_operands = 0 : i64, tpu.core_type = #tpu.core_type<tc>, window_params = [{transform_indices = @transform_0, window_bounds = array<i64: 1024, 768>}, {pipeline_mode = #tpu.pipeline_mode<synchronous>, transform_indices = @transform_1, window_bounds = array<i64: 768, 512>}, {pipeline_mode = #tpu.pipeline_mode<synchronous>, transform_indices = @transform_2, window_bounds = array<i64: 512>}, {pipeline_mode = #tpu.pipeline_mode<synchronous>, transform_indices = @transform_3, window_bounds = array<i64: 512, 256>}, {pipeline_mode = #tpu.pipeline_mode<synchronous>, transform_indices = @transform_4, window_bounds = array<i64: 256>}, {transform_indices = @transform_5, window_bounds = array<i64: 1024, 256>}]} {
    %get3A = arith.constant 0 : index
    %get3A_0 = arith.constant 0 : index
    %get3A_1 = vector.load %arg1[%get3A, %get3A_0] : memref<1024x768xf32, #tpu.memory_space<vmem>>, vector<1024x768xf32>
    %get3A_2 = arith.constant 0 : index
    %get3A_3 = arith.constant 0 : index
    %get3A_4 = vector.load %arg2[%get3A_2, %get3A_3] : memref<768x512xf32, #tpu.memory_space<vmem>>, vector<768x512xf32>
    %get3A_5 = arith.constant 0 : index
    %get3A_6 = vector.load %arg3[%get3A_5] : memref<512xf32, #tpu.memory_space<vmem>>, vector<512xf32>
    %dot_general3A = arith.constant dense<0.000000e+00> : vector<1024x512xf32>
    %dot_general3A_7 = tpu.matmul %get3A_1, %get3A_4, %dot_general3A {dimension_numbers = #tpu.dot_dimension_numbers<[1], [0], [0], [1], [0, 0, 1, 1], [], []>, transpose_lhs_hint = false} : vector<1024x768xf32>, vector<768x512xf32>, vector<1024x512xf32> -> vector<1024x512xf32>
    %broadcast_in_dim3A = vector.shape_cast %get3A_6 : vector<512xf32> to vector<1x512xf32>
    %add3A = vector.broadcast %broadcast_in_dim3A : vector<1x512xf32> to vector<1024x512xf32>
    %add3A_8 = arith.addf %dot_general3A_7, %add3A : vector<1024x512xf32>
    %mul3A = arith.constant 0.999994993 : f32
    %mul3A_9 = vector.broadcast %mul3A : f32 to vector<1024x512xf32>
    %mul3A_10 = arith.mulf %add3A_8, %mul3A_9 : vector<1024x512xf32>
    %max3A = arith.constant 0.000000e+00 : f32
    %max3A_11 = vector.broadcast %max3A : f32 to vector<1024x512xf32>
    %max3A_12 = arith.maximumf %mul3A_10, %max3A_11 : vector<1024x512xf32>
    %get3A_13 = arith.constant 0 : index
    %get3A_14 = arith.constant 0 : index
    %get3A_15 = vector.load %arg4[%get3A_13, %get3A_14] : memref<512x256xf32, #tpu.memory_space<vmem>>, vector<512x256xf32>
    %get3A_16 = arith.constant 0 : index
    %get3A_17 = vector.load %arg5[%get3A_16] : memref<256xf32, #tpu.memory_space<vmem>>, vector<256xf32>
    %dot_general3A_18 = arith.constant dense<0.000000e+00> : vector<1024x256xf32>
    %dot_general3A_19 = tpu.matmul %max3A_12, %get3A_15, %dot_general3A_18 {dimension_numbers = #tpu.dot_dimension_numbers<[1], [0], [0], [1], [0, 0, 1, 1], [], []>, transpose_lhs_hint = false} : vector<1024x512xf32>, vector<512x256xf32>, vector<1024x256xf32> -> vector<1024x256xf32>
    %broadcast_in_dim3A_20 = vector.shape_cast %get3A_17 : vector<256xf32> to vector<1x256xf32>
    %add3A_21 = vector.broadcast %broadcast_in_dim3A_20 : vector<1x256xf32> to vector<1024x256xf32>
    %add3A_22 = arith.addf %dot_general3A_19, %add3A_21 : vector<1024x256xf32>
    %swap3A = arith.constant 0 : index
    %swap3A_23 = arith.constant 0 : index
    %swap3A_24 = vector.load %arg6[%swap3A, %swap3A_23] : memref<1024x256xf32, #tpu.memory_space<vmem>>, vector<1024x256xf32>
    tpu.vector_store %arg6[%swap3A, %swap3A_23], %add3A_22 {strides = array<i32>} : memref<1024x256xf32, #tpu.memory_space<vmem>>, vector<1024x256xf32>,
    return
  }
  func.func @transform_0(%arg0: i32) -> (i32, i32) {
    %c0_i32 = arith.constant 0 : i32
    %c0_i32_0 = arith.constant 0 : i32
    return %arg0, %c0_i32 : i32, i32
  }
  func.func @transform_1(%arg0: i32) -> (i32, i32) {
    %c0_i32 = arith.constant 0 : i32
    %c0_i32_0 = arith.constant 0 : i32
    %c0_i32_1 = arith.constant 0 : i32
    return %c0_i32, %c0_i32_0 : i32, i32
  }
  func.func @transform_2(%arg0: i32) -> i32 {
    %c0_i32 = arith.constant 0 : i32
    %c0_i32_0 = arith.constant 0 : i32
    return %c0_i32 : i32
  }
  func.func @transform_3(%arg0: i32) -> (i32, i32) {
    %c0_i32 = arith.constant 0 : i32
    %c0_i32_0 = arith.constant 0 : i32
    %c0_i32_1 = arith.constant 0 : i32
    return %c0_i32, %c0_i32_0 : i32, i32
  }
  func.func @transform_4(%arg0: i32) -> i32 {
    %c0_i32 = arith.constant 0 : i32
    %c0_i32_0 = arith.constant 0 : i32
    return %c0_i32 : i32
  }
  func.func @transform_5(%arg0: i32) -> (i32, i32) {
    %c0_i32 = arith.constant 0 : i32
    %c0_i32_0 = arith.constant 0 : i32
    return %arg0, %c0_i32 : i32, i32
  }
}

module attributes {stable_mosaic.version = 14 : i64} {
  func.func @_mlp_kernel(%arg0: i32, %arg1: memref<1024x384xf32, #tpu.memory_space<vmem>>, %arg2: memref<384x256xf32, #tpu.memory_space<vmem>>, %arg3: memref<256xf32, #tpu.memory_space<vmem>>, %arg4: memref<256x128xf32, #tpu.memory_space<vmem>>, %arg5: memref<128xf32, #tpu.memory_space<vmem>>, %arg6: memref<1024x128xf32, #tpu.memory_space<vmem>>) attributes {dimension_semantics = [#tpu.dimension_semantics<arbitrary>], iteration_bounds = array<i64: 4>, scalar_prefetch = 0 : i64, scratch_operands = 0 : i64, tpu.core_type = #tpu.core_type<tc>, window_params = [{transform_indices = @transform_0, window_bounds = array<i64: 1024, 384>}, {pipeline_mode = #tpu.pipeline_mode<synchronous>, transform_indices = @transform_1, window_bounds = array<i64: 384, 256>}, {pipeline_mode = #tpu.pipeline_mode<synchronous>, transform_indices = @transform_2, window_bounds = array<i64: 256>}, {pipeline_mode = #tpu.pipeline_mode<synchronous>, transform_indices = @transform_3, window_bounds = array<i64: 256, 128>}, {pipeline_mode = #tpu.pipeline_mode<synchronous>, transform_indices = @transform_4, window_bounds = array<i64: 128>}, {transform_indices = @transform_5, window_bounds = array<i64: 1024, 128>}]} {
    %get3A = arith.constant 0 : index
    %get3A_0 = arith.constant 0 : index
    %get3A_1 = vector.load %arg1[%get3A, %get3A_0] : memref<1024x384xf32, #tpu.memory_space<vmem>>, vector<1024x384xf32>
    %get3A_2 = arith.constant 0 : index
    %get3A_3 = arith.constant 0 : index
    %get3A_4 = vector.load %arg2[%get3A_2, %get3A_3] : memref<384x256xf32, #tpu.memory_space<vmem>>, vector<384x256xf32>
    %get3A_5 = arith.constant 0 : index
    %get3A_6 = vector.load %arg3[%get3A_5] : memref<256xf32, #tpu.memory_space<vmem>>, vector<256xf32>
    %dot_general3A = arith.constant dense<0.000000e+00> : vector<1024x256xf32>
    %dot_general3A_7 = tpu.matmul %get3A_1, %get3A_4, %dot_general3A {dimension_numbers = #tpu.dot_dimension_numbers<[1], [0], [0], [1], [0, 0, 1, 1], [], []>, transpose_lhs_hint = false} : vector<1024x384xf32>, vector<384x256xf32>, vector<1024x256xf32> -> vector<1024x256xf32>
    %broadcast_in_dim3A = vector.shape_cast %get3A_6 : vector<256xf32> to vector<1x256xf32>
    %add3A = vector.broadcast %broadcast_in_dim3A : vector<1x256xf32> to vector<1024x256xf32>
    %add3A_8 = arith.addf %dot_general3A_7, %add3A : vector<1024x256xf32>
    %mul3A = arith.constant 0.999994993 : f32
    %mul3A_9 = vector.broadcast %mul3A : f32 to vector<1024x256xf32>
    %mul3A_10 = arith.mulf %add3A_8, %mul3A_9 : vector<1024x256xf32>
    %max3A = arith.constant 0.000000e+00 : f32
    %max3A_11 = vector.broadcast %max3A : f32 to vector<1024x256xf32>
    %max3A_12 = arith.maximumf %mul3A_10, %max3A_11 : vector<1024x256xf32>
    %get3A_13 = arith.constant 0 : index
    %get3A_14 = arith.constant 0 : index
    %get3A_15 = vector.load %arg4[%get3A_13, %get3A_14] : memref<256x128xf32, #tpu.memory_space<vmem>>, vector<256x128xf32>
    %get3A_16 = arith.constant 0 : index
    %get3A_17 = vector.load %arg5[%get3A_16] : memref<128xf32, #tpu.memory_space<vmem>>, vector<128xf32>
    %dot_general3A_18 = arith.constant dense<0.000000e+00> : vector<1024x128xf32>
    %dot_general3A_19 = tpu.matmul %max3A_12, %get3A_15, %dot_general3A_18 {dimension_numbers = #tpu.dot_dimension_numbers<[1], [0], [0], [1], [0, 0, 1, 1], [], []>, transpose_lhs_hint = false} : vector<1024x256xf32>, vector<256x128xf32>, vector<1024x128xf32> -> vector<1024x128xf32>
    %broadcast_in_dim3A_20 = vector.shape_cast %get3A_17 : vector<128xf32> to vector<1x128xf32>
    %add3A_21 = vector.broadcast %broadcast_in_dim3A_20 : vector<1x128xf32> to vector<1024x128xf32>
    %add3A_22 = arith.addf %dot_general3A_19, %add3A_21 : vector<1024x128xf32>
    %swap3A = arith.constant 0 : index
    %swap3A_23 = arith.constant 0 : index
    %swap3A_24 = vector.load %arg6[%swap3A, %swap3A_23] : memref<1024x128xf32, #tpu.memory_space<vmem>>, vector<1024x128xf32>
    tpu.vector_store %arg6[%swap3A, %swap3A_23], %add3A_22 {strides = array<i32>} : memref<1024x128xf32, #tpu.memory_space<vmem>>, vector<1024x128xf32>,
    return
  }
  func.func @transform_0(%arg0: i32) -> (i32, i32) {
    %c0_i32 = arith.constant 0 : i32
    %c0_i32_0 = arith.constant 0 : i32
    return %arg0, %c0_i32 : i32, i32
  }
  func.func @transform_1(%arg0: i32) -> (i32, i32) {
    %c0_i32 = arith.constant 0 : i32
    %c0_i32_0 = arith.constant 0 : i32
    %c0_i32_1 = arith.constant 0 : i32
    return %c0_i32, %c0_i32_0 : i32, i32
  }
  func.func @transform_2(%arg0: i32) -> i32 {
    %c0_i32 = arith.constant 0 : i32
    %c0_i32_0 = arith.constant 0 : i32
    return %c0_i32 : i32
  }
  func.func @transform_3(%arg0: i32) -> (i32, i32) {
    %c0_i32 = arith.constant 0 : i32
    %c0_i32_0 = arith.constant 0 : i32
    %c0_i32_1 = arith.constant 0 : i32
    return %c0_i32, %c0_i32_0 : i32, i32
  }
  func.func @transform_4(%arg0: i32) -> i32 {
    %c0_i32 = arith.constant 0 : i32
    %c0_i32_0 = arith.constant 0 : i32
    return %c0_i32 : i32
  }
  func.func @transform_5(%arg0: i32) -> (i32, i32) {
    %c0_i32 = arith.constant 0 : i32
    %c0_i32_0 = arith.constant 0 : i32
    return %arg0, %c0_i32 : i32, i32
  }
}

module attributes {stable_mosaic.version = 14 : i64} {
  func.func @_mlp_kernel(%arg0: i32, %arg1: memref<1024x131xf32, #tpu.memory_space<vmem>>, %arg2: memref<131x128xf32, #tpu.memory_space<vmem>>, %arg3: memref<128xf32, #tpu.memory_space<vmem>>, %arg4: memref<128x128xf32, #tpu.memory_space<vmem>>, %arg5: memref<128xf32, #tpu.memory_space<vmem>>, %arg6: memref<128x128xf32, #tpu.memory_space<vmem>>, %arg7: memref<128xf32, #tpu.memory_space<vmem>>, %arg8: memref<1024x128xf32, #tpu.memory_space<vmem>>) attributes {dimension_semantics = [#tpu.dimension_semantics<arbitrary>], iteration_bounds = array<i64: 16>, scalar_prefetch = 0 : i64, scratch_operands = 0 : i64, tpu.core_type = #tpu.core_type<tc>, window_params = [{transform_indices = @transform_0, window_bounds = array<i64: 1024, 131>}, {pipeline_mode = #tpu.pipeline_mode<synchronous>, transform_indices = @transform_1, window_bounds = array<i64: 131, 128>}, {pipeline_mode = #tpu.pipeline_mode<synchronous>, transform_indices = @transform_2, window_bounds = array<i64: 128>}, {pipeline_mode = #tpu.pipeline_mode<synchronous>, transform_indices = @transform_3, window_bounds = array<i64: 128, 128>}, {pipeline_mode = #tpu.pipeline_mode<synchronous>, transform_indices = @transform_4, window_bounds = array<i64: 128>}, {pipeline_mode = #tpu.pipeline_mode<synchronous>, transform_indices = @transform_5, window_bounds = array<i64: 128, 128>}, {pipeline_mode = #tpu.pipeline_mode<synchronous>, transform_indices = @transform_6, window_bounds = array<i64: 128>}, {transform_indices = @transform_7, window_bounds = array<i64: 1024, 128>}]} {
    %get3A = arith.constant 0 : index
    %get3A_0 = arith.constant 0 : index
    %get3A_1 = vector.load %arg1[%get3A, %get3A_0] : memref<1024x131xf32, #tpu.memory_space<vmem>>, vector<1024x131xf32>
    %get3A_2 = arith.constant 0 : index
    %get3A_3 = arith.constant 0 : index
    %get3A_4 = vector.load %arg2[%get3A_2, %get3A_3] : memref<131x128xf32, #tpu.memory_space<vmem>>, vector<131x128xf32>
    %get3A_5 = arith.constant 0 : index
    %get3A_6 = vector.load %arg3[%get3A_5] : memref<128xf32, #tpu.memory_space<vmem>>, vector<128xf32>
    %dot_general3A = arith.constant dense<0.000000e+00> : vector<1024x128xf32>
    %dot_general3A_7 = tpu.matmul %get3A_1, %get3A_4, %dot_general3A {dimension_numbers = #tpu.dot_dimension_numbers<[1], [0], [0], [1], [0, 0, 1, 1], [], []>, transpose_lhs_hint = false} : vector<1024x131xf32>, vector<131x128xf32>, vector<1024x128xf32> -> vector<1024x128xf32>
    %broadcast_in_dim3A = vector.shape_cast %get3A_6 : vector<128xf32> to vector<1x128xf32>
    %add3A = vector.broadcast %broadcast_in_dim3A : vector<1x128xf32> to vector<1024x128xf32>
    %add3A_8 = arith.addf %dot_general3A_7, %add3A : vector<1024x128xf32>
    %mul3A = arith.constant 0.999994993 : f32
    %mul3A_9 = vector.broadcast %mul3A : f32 to vector<1024x128xf32>
    %mul3A_10 = arith.mulf %add3A_8, %mul3A_9 : vector<1024x128xf32>
    %max3A = arith.constant 0.000000e+00 : f32
    %max3A_11 = vector.broadcast %max3A : f32 to vector<1024x128xf32>
    %max3A_12 = arith.maximumf %mul3A_10, %max3A_11 : vector<1024x128xf32>
    %get3A_13 = arith.constant 0 : index
    %get3A_14 = arith.constant 0 : index
    %get3A_15 = vector.load %arg4[%get3A_13, %get3A_14] : memref<128x128xf32, #tpu.memory_space<vmem>>, vector<128x128xf32>
    %get3A_16 = arith.constant 0 : index
    %get3A_17 = vector.load %arg5[%get3A_16] : memref<128xf32, #tpu.memory_space<vmem>>, vector<128xf32>
    %dot_general3A_18 = arith.constant dense<0.000000e+00> : vector<1024x128xf32>
    %dot_general3A_19 = tpu.matmul %max3A_12, %get3A_15, %dot_general3A_18 {dimension_numbers = #tpu.dot_dimension_numbers<[1], [0], [0], [1], [0, 0, 1, 1], [], []>, transpose_lhs_hint = false} : vector<1024x128xf32>, vector<128x128xf32>, vector<1024x128xf32> -> vector<1024x128xf32>
    %broadcast_in_dim3A_20 = vector.shape_cast %get3A_17 : vector<128xf32> to vector<1x128xf32>
    %add3A_21 = vector.broadcast %broadcast_in_dim3A_20 : vector<1x128xf32> to vector<1024x128xf32>
    %add3A_22 = arith.addf %dot_general3A_19, %add3A_21 : vector<1024x128xf32>
    %mul3A_23 = arith.constant 0.999994993 : f32
    %mul3A_24 = vector.broadcast %mul3A_23 : f32 to vector<1024x128xf32>
    %mul3A_25 = arith.mulf %add3A_22, %mul3A_24 : vector<1024x128xf32>
    %max3A_26 = arith.constant 0.000000e+00 : f32
    %max3A_27 = vector.broadcast %max3A_26 : f32 to vector<1024x128xf32>
    %max3A_28 = arith.maximumf %mul3A_25, %max3A_27 : vector<1024x128xf32>
    %get3A_29 = arith.constant 0 : index
    %get3A_30 = arith.constant 0 : index
    %get3A_31 = vector.load %arg6[%get3A_29, %get3A_30] : memref<128x128xf32, #tpu.memory_space<vmem>>, vector<128x128xf32>
    %get3A_32 = arith.constant 0 : index
    %get3A_33 = vector.load %arg7[%get3A_32] : memref<128xf32, #tpu.memory_space<vmem>>, vector<128xf32>
    %dot_general3A_34 = arith.constant dense<0.000000e+00> : vector<1024x128xf32>
    %dot_general3A_35 = tpu.matmul %max3A_28, %get3A_31, %dot_general3A_34 {dimension_numbers = #tpu.dot_dimension_numbers<[1], [0], [0], [1], [0, 0, 1, 1], [], []>, transpose_lhs_hint = false} : vector<1024x128xf32>, vector<128x128xf32>, vector<1024x128xf32> -> vector<1024x128xf32>
    %broadcast_in_dim3A_36 = vector.shape_cast %get3A_33 : vector<128xf32> to vector<1x128xf32>
    %add3A_37 = vector.broadcast %broadcast_in_dim3A_36 : vector<1x128xf32> to vector<1024x128xf32>
    %add3A_38 = arith.addf %dot_general3A_35, %add3A_37 : vector<1024x128xf32>
    %swap3A = arith.constant 0 : index
    %swap3A_39 = arith.constant 0 : index
    %swap3A_40 = vector.load %arg8[%swap3A, %swap3A_39] : memref<1024x128xf32, #tpu.memory_space<vmem>>, vector<1024x128xf32>
    tpu.vector_store %arg8[%swap3A, %swap3A_39], %add3A_38 {strides = array<i32>} : memref<1024x128xf32, #tpu.memory_space<vmem>>, vector<1024x128xf32>,
    return
  }
  func.func @transform_0(%arg0: i32) -> (i32, i32) {
    %c0_i32 = arith.constant 0 : i32
    %c0_i32_0 = arith.constant 0 : i32
    return %arg0, %c0_i32 : i32, i32
  }
  func.func @transform_1(%arg0: i32) -> (i32, i32) {
    %c0_i32 = arith.constant 0 : i32
    %c0_i32_0 = arith.constant 0 : i32
    %c0_i32_1 = arith.constant 0 : i32
    return %c0_i32, %c0_i32_0 : i32, i32
  }
  func.func @transform_2(%arg0: i32) -> i32 {
    %c0_i32 = arith.constant 0 : i32
    %c0_i32_0 = arith.constant 0 : i32
    return %c0_i32 : i32
  }
  func.func @transform_3(%arg0: i32) -> (i32, i32) {
    %c0_i32 = arith.constant 0 : i32
    %c0_i32_0 = arith.constant 0 : i32
    %c0_i32_1 = arith.constant 0 : i32
    return %c0_i32, %c0_i32_0 : i32, i32
  }
  func.func @transform_4(%arg0: i32) -> i32 {
    %c0_i32 = arith.constant 0 : i32
    %c0_i32_0 = arith.constant 0 : i32
    return %c0_i32 : i32
  }
  func.func @transform_5(%arg0: i32) -> (i32, i32) {
    %c0_i32 = arith.constant 0 : i32
    %c0_i32_0 = arith.constant 0 : i32
    %c0_i32_1 = arith.constant 0 : i32
    return %c0_i32, %c0_i32_0 : i32, i32
  }
  func.func @transform_6(%arg0: i32) -> i32 {
    %c0_i32 = arith.constant 0 : i32
    %c0_i32_0 = arith.constant 0 : i32
    return %c0_i32 : i32
  }
  func.func @transform_7(%arg0: i32) -> (i32, i32) {
    %c0_i32 = arith.constant 0 : i32
    %c0_i32_0 = arith.constant 0 : i32
    return %arg0, %c0_i32 : i32, i32
  }
}

</mosaic_0001>

<sc_bundles>
// kernel: sparse-core-data-format-call.1.cloned.1.call-start
scs
called_computation.1_lowered:
.L_overlay_start_0:
0x0: {  	s1 =	sld [smem:$0x3FD9]  }
0x1: {  	s2 =	sld [smem:$0x3FFE];
	_ =	sdelay $0x1  }
0x2: {  	s3 =	srdreg.scid  }
0x3: {  	s0 =	sand.u32 $0x1, s3  }
0x4: {  	s17 =	sshll.u32 s0, $0xA;
	s1 =	sadd.s32 s2, s1  }
0x5: {  	s1 =	sadd.s32 s1, s17  }
0x6: {  	[smem:$0x3FA8] =	sst s1  }
0x7: {  	_ = 	snop  }
0x8: {  	(tm) =	ssettm $0x1  }
0x9: {  	s18 =	sld [smem:$0x3FFB];
	_ =	sdelay $0x3  }
0xa: {  	_ =	strace s18  }
0xb: {  	s1 =	sld [smem:$0x3FFC];
	_ =	sdelay $0x3  }
0xc: {  	_ =	strace s1  }
0xd: {  	s1 =	sld [smem:$0x3FFD];
	_ =	sdelay $0x3  }
0xe: {  	_ =	strace s1  }
0xf: {  	_ =	strace $0x8FFFFFFF  }
0x10: {  	s19 =	sld [smem:$0x3FDB];
	_ =	sdelay $0x1  }
0x11: {  	s20 =	simm.s32 $_scs_section_size  }
0x12: {  	s4 =	simm.s32 $_size__tile_overlayer_lowered;
	s5 =	simm.s32 $_tile_overlayer_lowered  }
0x13: {  	s23 =	simm.s32 $0x1BFF;
	s22 =	sshll.u32 s5, $0x1;
	s1 =	sadd.s32 s20, s19  }
0x14: {  	s6 =	simm.s32 $0x0;
	s21 =	sshll.u32 s4, $0x1;
	s4 =	sadd.s32 s22, s1  }
0x15: {  	[timem:s6], [sflag:s23] =	dma.local [hbm:s4], s21  }
0x16: {  	_ =	swait.ge [sflag:s23], s21  }
0x17: {  	s2 =	ssub.s32 $0x0, s21;
	[sflag:s23] =	ssyncset.done $0x0  }
0x18: {  	[sflag:s23] =	ssyncadd.s32 s2;
	_ =	sdelay $0x1  }
0x19: {  	s24 =	simm.s32 $0x1B8B  }
0x1a: {  	_ =	swait.ge [sflag:s24], $0x1  }
0x1b: {  	[sflag:s24] =	ssyncset.done $0x0  }
0x1c: {  	s26 =	simm.s32 $0x1B8E;
	s25 =	sld [smem:$0x3FFE];
	[sflag:s24] =	ssyncadd.s32 $0xFFFFFFFF  }
0x1d: {  	s27 =	simm.s32 $execute0_lowered;
	[smem:$0x3FD2] =	sst s26  }
0x1e: {  	s4 =	sshll.u32 s27, $0x1;
	_ =	strace $0x80000046;
	[dreg:$0x1] =	wrdreg $0xFFFFFFFF  }
0x1f: {  	s28 =	simm.s32 $_size_execute0_lowered;
	s1 =	sadd.s32 s1, s4;
	[dreg:$0x0] =	wrdreg $0x0  }
0x20: {  	s4 =	sshll.u32 s28, $0x1;
	[dreg:$0x2] =	wrdreg s1  }
0x21: {  	[dreg:$0x3] =	wrdreg s4  }
0x22: {  	[dreg:$0x4] =	wrdreg $0xC0  }
0x23: {  	_ =	task [dreg:s6], $0x5FFFF  }
0x24: {  	[dreg:$0x1] =	wrdreg $0xFFFFFFFF  }
0x25: {  	[dreg:$0x0] =	wrdreg $0x60  }
0x26: {  	[dreg:$0x2] =	wrdreg s25  }
0x27: {  	[dreg:$0x3] =	wrdreg $0xA  }
0x28: {  	_ =	task.clear_ibuf [dreg:s6], $0x4FFFF;
	_ =	strace $0x90000046  }
0x29: {  	s29 =	simm.s32 $0xA;
	_ =	strace $0x80000048  }
0x2a: {  	_ =	swait.ge [sflag:s29], $0x1  }
0x2b: {  	[sflag:s29] =	ssyncadd.s32 $0xFFFFFFFF  }
0x2c: {  	_ =	strace $0x90000048  }
0x2d: {  	_ =	sfence  }
0x2e: {  	s30 =	sld [smem:$0x0];
	_ =	sdelay $0x2  }
0x2f: {  	s31 =	sshll.u32 s3, $0xD;
	s3 =	sshrl.u32 s3, $0x2  }
0x30: {  	s2 =	sand.u32 $0x4000, s31;
	s1 =	sadd.s32 s3, s30  }
0x31: {  	s0 =	sor.u32 s2, s0;
	s1 =	sshll.u32 s1, $0x11  }
0x32: {  	s0 =	sor.u32 s1, s0  }
0x33: {  	s0 =	sadd.s32 $0x8F2B, s0  }
0x34: {  	[sflag:s0] =	ssyncadd.remote.s32 $0x1  }
0x35: {  	_ =	sfence.sel $0xFFFF  }
0x36: {  	[dreg:$0x0] =	wrdreg $0xFFFFFFFF;
	(pc) =	sbr.abs _section_cstart, $3  }
0x37: {  	[dreg:$0x1] =	wrdreg $0xFFFFFFFF  }
0x38: {  	_ =	task.clear_ibuf [dreg:s6], $0x2FFFF;
	_ =	strace $0x9FFFFFFF  }
0x39: {  	(tm) =	ssettm $0x7FFFFFFF  }
tec
execute0_lowered:
.L_overlay_start_1:
0x0: {  	(tag) =	ssettag $0x1  }
0x1: {  	s0 =	stileid.u32;
	s1 =	srdreg.scid  }
0x2: {  	s4 =	rddreg [dreg:$0x0];
	s7 =	simm.s32 $0x1;
	s31 =	simm.s32 $0x2  }
0x3: {  	s16 =	simm.s32 $0x0;
	s2 =	sshll.u32 s0, $0x4;
	s1 =	sshll.u32 s1, $0x8  }
0x4: {  	s9 =	simm.s32 $0x1000;
	s14 =	simm.s32 $0x0;
	s1 =	sor.u32 s2, s1  }
0x5: {  	s15 =	simm.s32 $0x0;
	s10 =	simm.s32 $0x0;
	s2 =	sand.u32 $0x180, s1  }
0x6: {  	s13 =	simm.s32 $0x0;
	s3 =	sadd.s32 $0xE00, s4;
	s5 =	ssub.s32 $0x200, s2  }
0x7: {  	s4 =	sadd.s32 $0x100E00, s4;
	s1 =	rddreg [dreg:$0x1];
	s6 =	sand.u32 $0x180, s5  }
.Ltmp0:
0x8: {  	_ =	strace $0x80000047;
	p0 =	sne.s32 s6, $0x0;
	(pc) =	sbr.rel .LBB1_1-.Ltmp0, $4  }
0x9: {  	s11 =	smov.u32 s2;
	s8 =	sshrl.u32 s5, $0x9;
	s7 =	simm.s32 @!p0 $0x0  }
0xa: {  	s5 =	sand.u32 $0x7, s0;
	s6 =	simm.s32 $0x1;
	s7 =	sadd.s32 s7, s8  }
0xb: {  	s12 =	smov.u32 s5;
	[sflag:s6] =	ssyncpa.u1 $0x0;
	s7 =	sshll.u32 s7, $0x4  }
0xc: {  	p0 =	por $0x0, $0x0;
	[sflag:s31] =	ssyncpa.u1 $0x0;
	s8 =	sor.u32 $0x1, s7  }
.LBB1_4:
0xd: {  	v5 =	vld [tilespmem:s19+$0xFFFFFFD0];
	[tilespmem:s20+$0x2040 ss:$0x81] =	vst.msk $0xffff, v1  }
0xe: {  	v58 =	vld [tilespmem:s19+$0xFFFFFFE0];
	[tilespmem:s20+$0x2850 ss:$0x81] =	vst.msk $0xffff, v2  }
0xf: {  	s21 =	sshra.s32 s21, $0x2;
	v59 =	vld [tilespmem:s19+$0xFFFFFFF0];
	[tilespmem:s20+$0x3060 ss:$0x81] =	vst.msk $0xffff, v3  }
0x10: {  	v60 =	vld [tilespmem:s19+$0x0];
	[tilespmem:s20+$0x0 ss:$0x81] =	vst.msk $0xffff, v0;
	s18 =	sadd.s32 s21, s18  }
0x11: {  	v61 =	vld [tilespmem:s19+$0x10];
	s25 =	sshll.u32 s16, $0x9;
	[tilespmem:s18+$0x3870 ss:$0x81] =	vst.msk $0xffff, v4  }
0x12: {  	s26 =	sshll.u32 s14, $0x3;
	v62 =	vld [tilespmem:s19+$0x20];
	s27 =	sshll.u32 s16, $0x7;
	s30 =	sand.u32 $0x78, s14;
	[tilespmem:s18+$0x810 ss:$0x81] =	vst.msk $0xffff, v5  }
0x13: {  	v63 =	vld [tilespmem:s19+$0xFFFFFFC0];
	s15 =	sshll.u32 s15, $0x11;
	s20 =	sand.u32 $0xFF000, s25;
	s21 =	sand.u32 $0xFFC00, s26;
	[tilespmem:s18+$0x1020 ss:$0x81] =	vst.msk $0xffff, v58  }
0x14: {  	s29 =	sand.u32 $0x200, s27;
	s16 =	sand.u32 $0x180, s27;
	s28 =	sadd.s32 s21, s20;
	[tilespmem:s18+$0x1830 ss:$0x81] =	vst.msk $0xffff, v59  }
0x15: {  	s31 =	sand.u32 $0x7, s14;
	s16 =	sor.u32 s30, s16;
	s19 =	sor.u32 s29, s28;
	[tilespmem:s18+$0x2040 ss:$0x81] =	vst.msk $0xffff, v60  }
0x16: {  	s15 =	sadd.s32 s4, s15;
	s16 =	sshrl.u32 s16, $0x3;
	s19 =	sshrl.u32 s19, $0x3;
	[tilespmem:s18+$0x2850 ss:$0x81] =	vst.msk $0xffff, v61  }
0x17: {  	s14 =	sshll.u32 s31, $0x12;
	s15 =	sadd.s32 s16, s15;
	[tilespmem:s18+$0x3060 ss:$0x81] =	vst.msk $0xffff, v62;
	s19 =	sand.u32 $0x1FFC0, s19  }
0x18: {  	s14 =	sor.u32 $0x400, s14;
	[tilespmem:s18+$0x0 ss:$0x81] =	vst.msk $0xffff, v63;
	s15 =	sadd.s32 s19, s15  }
0x19: {  	[hbm4b:s15+s14] =	stream.strided.scatter [tilespmem:s17], [sflag:$0x2], $0x4000, s9, s14, $0x20;
	[tilespmem:$0x10100] =	vst v63  }
.LBB1_5:
0x1a: {  	s17 =	sadd.s32 $0x80, s10  }
0x1b: {  	s14 =	sadd.s32 $0x200, s11;
	s18 =	smov.u32 s11;
	p2 =	sgt.s32 s17, $0x7FF  }
0x1c: {  	s18 =	smov.u32 @p2 s14  }
0x1d: {  	s20 =	smov.u32 s12;
	s14 =	sadd.s32 $0x8, s12;
	p3 =	sgt.s32 s18, $0x1FF  }
0x1e: {  	s20 =	smov.u32 @p3 s14  }
0x1f: {  	s17 =	simm.s32 @p2 $0x0;
	p2 =	sgt.s32 s20, $0x7  }
0x20: {  	p1 =	slt.u32 s13, $0x2;
	s20 =	smov.u32 @p2 s5;
	p2 =	sne.s32 s13, s8  }
.Ltmp1:
0x21: {  	s19 =	simm.s32 @!p1 $0x2;
	(pc) =	sbr.rel @!p2 .LBB1_6-.Ltmp1, $4  }
0x22: {  	s16 =	smov.u32 s10;
	s15 =	smov.u32 s12;
	_ =	swait.ge @!p1 [sflag:s19], $0x4000  }
0x23: {  	p0 =	por !p0, !p0;
	[sflag:s19] =	ssyncset.done @!p1 $0x0;
	s10 =	smov.u32 s17  }
0x24: {  	s18 =	smov.u32 @p3 s2;
	s14 =	smov.u32 s11;
	[sflag:s19] =	ssyncadd.s32 @!p1 $0xFFFFC000  }
0x25: {  	s11 =	smov.u32 s18;
	s13 =	sadd.s32 $0x1, s13;
	s12 =	smov.u32 s20  }
.LBB1_1:
0x26: {  	p1 =	sge.u32 s13, s7;
	s31 =	sadd.s32 $0xFFFFFFFF, s13  }
0x27: {  	s17 =	sxor.u32 @!p1 $0xFFFFFFFF, s13;
	s18 =	sand.u32 @!p1 $0x78, s10;
	s19 =	sshll.u32 @!p1 s11, $0xB  }
0x28: {  	s20 =	sshll.u32 @!p1 s11, $0x7;
	s21 =	sshll.u32 @!p1 s10, $0x3;
	s17 =	sshll.u32 @!p1 s17, $0xE  }
0x29: {  	s19 =	sand.u32 @!p1 $0xFC000, s19;
	s20 =	sand.u32 @!p1 $0x380, s20;
	s17 =	sand.u32 @!p1 $0x4000, s17  }
0x2a: {  	s19 =	sadd.s32 @!p1 s19, s21;
	s21 =	sand.u32 @!p1 $0x400, s21;
	s18 =	sor.u32 @!p1 s20, s18  }
0x2b: {  	s20 =	sshll.u32 @!p1 s12, $0x11;
	s18 =	sor.u32 @!p1 s21, s18;
	s19 =	sshrl.u32 @!p1 s19, $0x3  }
0x2c: {  	s20 =	sadd.s32 @!p1 s3, s20;
	s21 =	sand.u32 @!p1 $0x7, s10;
	s19 =	sand.u32 @!p1 $0x1FF00, s19  }
0x2d: {  	s18 =	sshrl.u32 @!p1 s18, $0x3;
	s19 =	sadd.s32 @!p1 s19, s20;
	s20 =	sshll.u32 @!p1 s21, $0x12  }
0x2e: {  	s18 =	sadd.s32 @!p1 s18, s19;
	s19 =	sor.u32 @!p1 $0x400, s20;
	s20 =	simm.s32 @!p1 $0x4000  }
0x2f: {  	[tilespmem:s17], [sflag:$0x1] =	stream.strided.gather @!p1 [hbm4b:s18+s19], $0x4000, s20, s19, $0x38;
	[tilespmem:$0x10100] =	vst v63  }
0x30: {  	p1 =	sge.u32 s31, s7  }
.Ltmp2:
0x31: {  	_ = 	snop;
	(pc) =	sbr.rel @p1 .LBB1_5-.Ltmp2, $1  }
0x32: {  	_ =	sdelay $0x3  }
0x33: {  	s17 =	simm.s32 $0x1  }
0x34: {  	_ =	swait.ge [sflag:s6], $0x4000;
	s17 =	simm.s32 @!p0 $0x0  }
0x35: {  	[sflag:s6] =	ssyncset.done $0x0;
	s18 =	sshll.u32 s17, $0xE  }
0x36: {  	[sflag:s6] =	ssyncadd.s32 $0xFFFFC000;
	s19 =	sor.u32 $0x40, s18  }
0x37: {  	s17 =	smul.u32 $0x10200, s17;
	v0 =	vld [tilespmem:s19+$0x30]  }
0x38: {  	v3 =	vld [tilespmem:s19+$0xFFFFFFD0]  }
0x39: {  	s17 =	sshrl.u32 s17, $0x2;
	v4 =	vld [tilespmem:s19+$0xFFFFFFE0]  }
0x3a: {  	v5 =	vld [tilespmem:s19+$0xFFFFFFF0];
	s18 =	sor.u32 $0x8000, s17  }
0x3b: {  	s31 =	sand.u32 $0x1, s13;
	v1 =	vld [tilespmem:s19+$0x0];
	s20 =	sadd.s32 $0x0, s18  }
0x3c: {  	v2 =	vld [tilespmem:s19+$0x10];
	s17 =	smul.u32 $0x10200, s31;
	[tilespmem:s20+$0x3870 ss:$0x81] =	vst.msk $0xffff, v0  }
0x3d: {  	[tilespmem:s20+$0x810 ss:$0x81] =	vst.msk $0xffff, v3;
	v3 =	vld [tilespmem:s19+$0x20]  }
0x3e: {  	s17 =	sshrl.u32 s17, $0x2;
	v0 =	vld [tilespmem:s19+$0xFFFFFFC0];
	[tilespmem:s20+$0x1020 ss:$0x81] =	vst.msk $0xffff, v4;
	s19 =	sadd.s32 $0x80, s19  }
0x3f: {  	s21 =	simm.s32 $0x4;
	s22 =	simm.s32 $0x8;
	s17 =	sor.u32 $0x8000, s17;
	[tilespmem:s20+$0x1830 ss:$0x81] =	vst.msk $0xffff, v5;
	v4 =	vld [tilespmem:s19+$0x30]  }
.LBB1_3:
0x40: {  	p1 =	sne.s32 s22, $0x1FC;
	v5 =	vld [tilespmem:s19+$0xFFFFFFD0];
	[tilespmem:s20+$0x2040 ss:$0x81] =	vst.msk $0xffff, v1  }
0x41: {  	v6 =	vld [tilespmem:s19+$0xFFFFFFE0];
	[tilespmem:s20+$0x2850 ss:$0x81] =	vst.msk $0xffff, v2  }
0x42: {  	s23 =	sshra.s32 s21, $0x2;
	s21 =	smov.u32 s22;
	v7 =	vld [tilespmem:s19+$0xFFFFFFF0];
	[tilespmem:s20+$0x3060 ss:$0x81] =	vst.msk $0xffff, v3  }
.Ltmp3:
0x43: {  	v1 =	vld [tilespmem:s19+$0x0];
	[tilespmem:s20+$0x0 ss:$0x81] =	vst.msk $0xffff, v0;
	s20 =	sadd.s32 s23, s18;
	(pc) =	sbr.rel @p1 .LBB1_3-.Ltmp3, $4  }
0x44: {  	v2 =	vld [tilespmem:s19+$0x10];
	[tilespmem:s20+$0x3870 ss:$0x81] =	vst.msk $0xffff, v4  }
0x45: {  	[tilespmem:s20+$0x810 ss:$0x81] =	vst.msk $0xffff, v5;
	v3 =	vld [tilespmem:s19+$0x20]  }
0x46: {  	v0 =	vld [tilespmem:s19+$0xFFFFFFC0];
	[tilespmem:s20+$0x1020 ss:$0x81] =	vst.msk $0xffff, v6;
	s19 =	sadd.s32 $0x80, s19  }
0x47: {  	s22 =	sadd.s32 $0x4, s22;
	v4 =	vld [tilespmem:s19+$0x30];
	[tilespmem:s20+$0x1830 ss:$0x81] =	vst.msk $0xffff, v7  }
.Ltmp4:
0x48: {  	_ = 	snop;
	(pc) =	sbr.rel .LBB1_4-.Ltmp4, $1  }
0x49: {  	_ =	sdelay $0x3  }
.LBB1_6:
0x4a: {  	_ =	sfence.sel $0x180000  }
0x4b: {  	s2 =	simm.s32 $0x1;
	[bflag:$0x0] =	sbarrier.arrive $0xFFFF  }
0x4c: {  	s31 =	simm.s32 $0x2;
	[sflag:s2] =	ssyncpa.u1 $0x1  }
0x4d: {  	[sflag:s31] =	ssyncpa.u1 $0x1  }
0x4e: {  	p0 =	sne.s32 s0, $0x0;
	_ =	strace $0x90000047  }
0x4f: {  	s0 =	sadd.s32 @!p0 $0x100000, s1;
	[bflag:$0x2] =	sbarrier.arrive $0xFFFF  }
0x50: {  	[sflag:s0] =	ssyncadd.tile.s32 @!p0 $0x1;
	_ =	shalt  }
.Lfunc_end1:
_tile_overlayer_lowered:
.L_overlay_start_2:
0x51: {  	(tag) =	ssettag $0x2  }
0x52: {  	s0 =	rddreg [dreg:$0x0];
	s2 =	stileid.u32  }
0x53: {  	s1 =	rddreg [dreg:$0x1];
	p0 =	sne.s32 s2, $0x0  }
0x54: {  	s3 =	rddreg [dreg:$0x2];
	[bflag:$0x3] =	sbarrier.arrive $0xFFFF;
	s2 =	simm.s32 @!p0 $0x1C01  }
0x55: {  	[timem:s3], [sflag:s2] =	dma.local @!p0 [hbm:s0], s1  }
0x56: {  	s0 =	simm.s32 @!p0 $0x1  }
0x57: {  	_ =	swait.ge @!p0 [sflag:s0], s1  }
0x58: {  	s1 =	ssub.s32 @!p0 $0x0, s1;
	[sflag:s0] =	ssyncset.done @!p0 $0x0  }
0x59: {  	[sflag:s0] =	ssyncadd.s32 @!p0 s1  }
0x5a: {  	[bflag:$0x3] =	sbarrier.arrive $0xFFFF  }
0x5b: {  	_ =	shalt  }

// kernel: sparse-core-data-format-call.cloned.1.call-start
scs
called_computation_lowered:
.L_overlay_start_0:
0x0: {  	s2 =	sld [smem:$0x3FD9]  }
0x1: {  	s3 =	sld [smem:$0x3FFE];
	_ =	sdelay $0x1  }
0x2: {  	s1 =	srdreg.scid  }
0x3: {  	s0 =	sand.u32 $0x1, s1  }
0x4: {  	s18 =	sshll.u32 s0, $0xA;
	s2 =	sadd.s32 s3, s2  }
0x5: {  	s2 =	sadd.s32 s2, s18  }
0x6: {  	[smem:$0x3FA8] =	sst s2  }
0x7: {  	_ = 	snop  }
0x8: {  	(tm) =	ssettm $0x1  }
0x9: {  	s19 =	sld [smem:$0x3FFB];
	_ =	sdelay $0x3  }
0xa: {  	_ =	strace s19  }
0xb: {  	s2 =	sld [smem:$0x3FFC];
	_ =	sdelay $0x3  }
0xc: {  	_ =	strace s2  }
0xd: {  	s2 =	sld [smem:$0x3FFD];
	_ =	sdelay $0x3  }
0xe: {  	_ =	strace s2  }
0xf: {  	_ =	strace $0x8FFFFFFF  }
0x10: {  	s20 =	sld [smem:$0x3FDB];
	_ =	sdelay $0x1  }
0x11: {  	s21 =	simm.s32 $_scs_section_size  }
0x12: {  	s4 =	simm.s32 $_size__tile_overlayer_lowered;
	s5 =	simm.s32 $_tile_overlayer_lowered  }
0x13: {  	s6 =	simm.s32 $0x1BFF;
	s22 =	sshll.u32 s5, $0x1;
	s3 =	sadd.s32 s21, s20  }
0x14: {  	s23 =	simm.s32 $0x0;
	s4 =	sshll.u32 s4, $0x1;
	s5 =	sadd.s32 s22, s3  }
0x15: {  	[timem:s23], [sflag:s6] =	dma.local [hbm:s5], s4  }
0x16: {  	_ =	swait.ge [sflag:s6], s4  }
0x17: {  	s4 =	ssub.s32 $0x0, s4;
	[sflag:s6] =	ssyncset.done $0x0  }
0x18: {  	[sflag:s6] =	ssyncadd.s32 s4;
	_ =	sdelay $0x1  }
0x19: {  	s24 =	simm.s32 $0x1B8B  }
0x1a: {  	_ =	swait.ge [sflag:s24], $0x1  }
0x1b: {  	[sflag:s24] =	ssyncset.done $0x0  }
0x1c: {  	[sflag:s24] =	ssyncadd.s32 $0xFFFFFFFF  }
0x1d: {  	s4 =	sld [smem:$0x0]  }
0x1e: {  	s5 =	sand.u32 $0xFFFFFFFE, s1  }
0x1f: {  	p0 =	sne.s32 s1, s5  }
0x20: {  	s5 =	sshll.u32 @p0 s5, $0xE  }
0x21: {  	s5 =	sadd.s32 @p0 $0x11B8D, s5;
	s6 =	sshll.u32 @p0 s4, $0x11  }
0x22: {  	s5 =	sor.u32 @p0 s6, s5  }
0x23: {  	[sflag:s5] =	ssyncadd.remote.s32 @p0 $0x1;
	_ =	sdelay $0x1  }
0x24: {  	s5 =	simm.s32 @p0 $0x1B8D  }
0x25: {  	_ =	swait.eq @p0 [sflag:s5], $0x1  }
0x26: {  	[sflag:s5] =	ssyncadd.s32 @p0 $0xFFFFFFFF  }
0x27: {  	s6 =	sshll.u32 @!p0 s1, $0xE  }
0x28: {  	s6 =	sor.u32 @!p0 $0x4000, s6;
	s5 =	simm.s32 @!p0 $0x1B8D  }
0x29: {  	s4 =	sshll.u32 @!p0 s4, $0x11;
	s6 =	sadd.s32 @!p0 $0x11B8D, s6;
	_ =	swait.eq @!p0 [sflag:s5], $0x1  }
0x2a: {  	s4 =	sor.u32 @!p0 s4, s6;
	[sflag:s5] =	ssyncadd.s32 @!p0 $0xFFFFFFFF  }
0x2b: {  	s26 =	simm.s32 $0x1B8E;
	s25 =	sld [smem:$0x3FFE];
	[sflag:s4] =	ssyncadd.remote.s32 @!p0 $0x1  }
0x2c: {  	s27 =	simm.s32 $execute0_lowered;
	[smem:$0x3FD2] =	sst s26  }
0x2d: {  	s5 =	sshll.u32 s27, $0x1;
	_ =	strace $0x80000049;
	[dreg:$0x1] =	wrdreg $0xFFFFFFFF  }
0x2e: {  	s28 =	simm.s32 $_size_execute0_lowered;
	s3 =	sadd.s32 s3, s5;
	[dreg:$0x0] =	wrdreg $0x0  }
0x2f: {  	s5 =	sshll.u32 s28, $0x1;
	[dreg:$0x2] =	wrdreg s3  }
0x30: {  	[dreg:$0x3] =	wrdreg s5  }
0x31: {  	[dreg:$0x4] =	wrdreg $0xC0  }
0x32: {  	_ =	task [dreg:s23], $0x5FFFF  }
0x33: {  	[dreg:$0x1] =	wrdreg $0xFFFFFFFF  }
0x34: {  	[dreg:$0x0] =	wrdreg $0x60  }
0x35: {  	[dreg:$0x2] =	wrdreg s25  }
0x36: {  	[dreg:$0x3] =	wrdreg $0x9  }
0x37: {  	_ =	task.clear_ibuf [dreg:s23], $0x4FFFF;
	_ =	strace $0x90000049  }
0x38: {  	s29 =	simm.s32 $0x9;
	_ =	strace $0x8000004B  }
0x39: {  	_ =	swait.ge [sflag:s29], $0x1  }
0x3a: {  	[sflag:s29] =	ssyncadd.s32 $0xFFFFFFFF  }
0x3b: {  	_ =	strace $0x9000004B  }
0x3c: {  	_ =	sfence  }
0x3d: {  	s30 =	sld [smem:$0x0];
	_ =	sdelay $0x2  }
0x3e: {  	s31 =	sshll.u32 s1, $0xD;
	s1 =	sshrl.u32 s1, $0x2  }
0x3f: {  	s4 =	sand.u32 $0x4000, s31;
	s1 =	sadd.s32 s1, s30  }
0x40: {  	s0 =	sor.u32 s4, s0;
	s1 =	sshll.u32 s1, $0x11  }
0x41: {  	s0 =	sor.u32 s1, s0  }
0x42: {  	s0 =	sadd.s32 $0x8F2B, s0  }
0x43: {  	[sflag:s0] =	ssyncadd.remote.s32 $0x1  }
0x44: {  	_ =	sfence.sel $0xFFFF  }
0x45: {  	[dreg:$0x0] =	wrdreg $0xFFFFFFFF;
	(pc) =	sbr.abs _section_cstart, $3  }
0x46: {  	[dreg:$0x1] =	wrdreg $0xFFFFFFFF  }
0x47: {  	_ =	task.clear_ibuf [dreg:s23], $0x2FFFF;
	_ =	strace $0x9FFFFFFF  }
0x48: {  	(tm) =	ssettm $0x7FFFFFFF  }
0x49: {  	_ =	shalt  }
tec
execute0_lowered:
.L_overlay_start_1:
0x0: {  	(tag) =	ssettag $0x1  }
0x1: {  	s0 =	stileid.u32;
	s1 =	srdreg.scid  }
0x2: {  	s4 =	rddreg [dreg:$0x0];
	s7 =	simm.s32 $0x1;
	s31 =	simm.s32 $0x2  }
0x3: {  	s16 =	simm.s32 $0x0;
	s2 =	sshll.u32 s0, $0x4;
	s1 =	sshll.u32 s1, $0x8  }
0x4: {  	s9 =	simm.s32 $0x4000;
	s14 =	simm.s32 $0x0;
	s1 =	sor.u32 s2, s1  }
0x5: {  	s15 =	simm.s32 $0x0;
	s10 =	simm.s32 $0x0;
	s2 =	sand.u32 $0x180, s1  }
0x6: {  	s13 =	simm.s32 $0x0;
	s3 =	sadd.s32 $0x200E00, s4;
	s5 =	ssub.s32 $0x800, s2  }
0x7: {  	s4 =	sadd.s32 $0x300E00, s4;
	s1 =	rddreg [dreg:$0x1];
	s6 =	sand.u32 $0x180, s5  }
.Ltmp0:
0x8: {  	_ =	strace $0x8000004A;
	p0 =	sne.s32 s6, $0x0;
	(pc) =	sbr.rel .LBB1_1-.Ltmp0, $4  }
0x9: {  	s11 =	smov.u32 s2;
	s8 =	sshrl.u32 s5, $0x9;
	s7 =	simm.s32 @!p0 $0x0  }
0xa: {  	s5 =	sand.u32 $0x7, s0;
	s6 =	simm.s32 $0x1;
	s7 =	sadd.s32 s7, s8  }
0xb: {  	s12 =	smov.u32 s5;
	[sflag:s6] =	ssyncpa.u1 $0x0;
	s7 =	sshll.u32 s7, $0x2  }
0xc: {  	p0 =	por $0x0, $0x0;
	[sflag:s31] =	ssyncpa.u1 $0x0;
	s8 =	sor.u32 $0x1, s7  }
.LBB1_4:
0xd: {  	v5 =	vld [tilespmem:s19+$0xFFFFFFD0];
	[tilespmem:s20+$0x2040 ss:$0x81] =	vst.msk $0xffff, v1  }
0xe: {  	v58 =	vld [tilespmem:s19+$0xFFFFFFE0];
	[tilespmem:s20+$0x2850 ss:$0x81] =	vst.msk $0xffff, v2  }
0xf: {  	s21 =	sshra.s32 s21, $0x2;
	v59 =	vld [tilespmem:s19+$0xFFFFFFF0];
	[tilespmem:s20+$0x3060 ss:$0x81] =	vst.msk $0xffff, v3  }
0x10: {  	v60 =	vld [tilespmem:s19+$0x0];
	[tilespmem:s20+$0x0 ss:$0x81] =	vst.msk $0xffff, v0;
	s18 =	sadd.s32 s21, s18  }
0x11: {  	v61 =	vld [tilespmem:s19+$0x10];
	s26 =	sshll.u32 s16, $0xB;
	[tilespmem:s18+$0x3870 ss:$0x81] =	vst.msk $0xffff, v4  }
0x12: {  	v62 =	vld [tilespmem:s19+$0x20];
	s27 =	sand.u32 $0x78, s14;
	s22 =	sshll.u32 s14, $0x3;
	s29 =	sshll.u32 s16, $0x7;
	[tilespmem:s18+$0x810 ss:$0x81] =	vst.msk $0xffff, v5  }
0x13: {  	v63 =	vld [tilespmem:s19+$0xFFFFFFC0];
	s15 =	sshll.u32 s15, $0x11;
	s20 =	sand.u32 $0xFC000, s26;
	s28 =	sand.u32 $0xFFC00, s22;
	[tilespmem:s18+$0x1020 ss:$0x81] =	vst.msk $0xffff, v58  }
0x14: {  	s31 =	sand.u32 $0x7, s14;
	s22 =	sand.u32 $0x400, s22;
	s19 =	sadd.s32 s28, s20;
	[tilespmem:s18+$0x1830 ss:$0x81] =	vst.msk $0xffff, v59  }
0x15: {  	s16 =	sand.u32 $0x380, s29;
	s30 =	sor.u32 s27, s22;
	s19 =	sshrl.u32 s19, $0x3;
	[tilespmem:s18+$0x2040 ss:$0x81] =	vst.msk $0xffff, v60  }
0x16: {  	s15 =	sadd.s32 s4, s15;
	s16 =	sor.u32 s16, s30;
	s19 =	sand.u32 $0x1FF00, s19;
	[tilespmem:s18+$0x2850 ss:$0x81] =	vst.msk $0xffff, v61  }
0x17: {  	s14 =	sshll.u32 s31, $0x12;
	s16 =	sshrl.u32 s16, $0x3;
	[tilespmem:s18+$0x3060 ss:$0x81] =	vst.msk $0xffff, v62;
	s15 =	sadd.s32 s19, s15  }
0x18: {  	s14 =	sor.u32 $0x400, s14;
	[tilespmem:s18+$0x0 ss:$0x81] =	vst.msk $0xffff, v63;
	s15 =	sadd.s32 s16, s15  }
0x19: {  	[hbm4b:s15+s14] =	stream.strided.scatter [tilespmem:s17], [sflag:$0x2], $0x4000, s9, s14, $0x20;
	[tilespmem:$0x10100] =	vst v63  }
.LBB1_5:
0x1a: {  	s17 =	sadd.s32 $0x80, s10  }
0x1b: {  	s14 =	sadd.s32 $0x200, s11;
	s18 =	smov.u32 s11;
	p2 =	sgt.s32 s17, $0x1FF  }
0x1c: {  	s18 =	smov.u32 @p2 s14  }
0x1d: {  	s20 =	smov.u32 s12;
	s14 =	sadd.s32 $0x8, s12;
	p3 =	sgt.s32 s18, $0x7FF  }
0x1e: {  	s20 =	smov.u32 @p3 s14  }
0x1f: {  	s17 =	simm.s32 @p2 $0x0;
	p2 =	sgt.s32 s20, $0x7  }
0x20: {  	p1 =	slt.u32 s13, $0x2;
	s20 =	smov.u32 @p2 s5;
	p2 =	sne.s32 s13, s8  }
.Ltmp1:
0x21: {  	s19 =	simm.s32 @!p1 $0x2;
	(pc) =	sbr.rel @!p2 .LBB1_6-.Ltmp1, $4  }
0x22: {  	s16 =	smov.u32 s10;
	s15 =	smov.u32 s12;
	_ =	swait.ge @!p1 [sflag:s19], $0x4000  }
0x23: {  	p0 =	por !p0, !p0;
	[sflag:s19] =	ssyncset.done @!p1 $0x0;
	s10 =	smov.u32 s17  }
0x24: {  	s18 =	smov.u32 @p3 s2;
	s14 =	smov.u32 s11;
	[sflag:s19] =	ssyncadd.s32 @!p1 $0xFFFFC000  }
0x25: {  	s11 =	smov.u32 s18;
	s13 =	sadd.s32 $0x1, s13;
	s12 =	smov.u32 s20  }
.LBB1_1:
0x26: {  	p1 =	sge.u32 s13, s7  }
0x27: {  	s31 =	sadd.s32 $0xFFFFFFFF, s13;
	s17 =	sxor.u32 @!p1 $0xFFFFFFFF, s13  }
0x28: {  	s18 =	sshll.u32 @!p1 s11, $0x9;
	s19 =	sshll.u32 @!p1 s10, $0x3;
	s20 =	sshll.u32 @!p1 s11, $0x7  }
0x29: {  	s21 =	sand.u32 @!p1 $0x78, s10;
	s18 =	sand.u32 @!p1 $0xFF000, s18;
	s19 =	sand.u32 @!p1 $0xFFC00, s19  }
0x2a: {  	s17 =	sshll.u32 @!p1 s17, $0xE;
	s18 =	sadd.s32 @!p1 s18, s19;
	s19 =	sand.u32 @!p1 $0x200, s20  }
0x2b: {  	s17 =	sand.u32 @!p1 $0x4000, s17;
	s18 =	sor.u32 @!p1 s19, s18;
	s19 =	sand.u32 @!p1 $0x180, s20  }
0x2c: {  	s20 =	sshll.u32 @!p1 s12, $0x11;
	s19 =	sor.u32 @!p1 s21, s19;
	s18 =	sshrl.u32 @!p1 s18, $0x3  }
0x2d: {  	s20 =	sadd.s32 @!p1 s3, s20;
	s21 =	sand.u32 @!p1 $0x7, s10;
	s19 =	sshrl.u32 @!p1 s19, $0x3  }
0x2e: {  	s18 =	sand.u32 @!p1 $0x1FFC0, s18;
	s19 =	sadd.s32 @!p1 s19, s20;
	s20 =	sshll.u32 @!p1 s21, $0x12  }
0x2f: {  	s18 =	sadd.s32 @!p1 s18, s19;
	s19 =	sor.u32 @!p1 $0x400, s20;
	s20 =	simm.s32 @!p1 $0x1000  }
0x30: {  	[tilespmem:s17], [sflag:$0x1] =	stream.strided.gather @!p1 [hbm4b:s18+s19], $0x4000, s20, s19, $0x38;
	[tilespmem:$0x10100] =	vst v63  }
0x31: {  	p1 =	sge.u32 s31, s7  }
.Ltmp2:
0x32: {  	_ = 	snop;
	(pc) =	sbr.rel @p1 .LBB1_5-.Ltmp2, $1  }
0x33: {  	_ =	sdelay $0x3  }
0x34: {  	s17 =	simm.s32 $0x1  }
0x35: {  	_ =	swait.ge [sflag:s6], $0x4000;
	s17 =	simm.s32 @!p0 $0x0  }
0x36: {  	[sflag:s6] =	ssyncset.done $0x0;
	s18 =	sshll.u32 s17, $0xE  }
0x37: {  	[sflag:s6] =	ssyncadd.s32 $0xFFFFC000;
	s19 =	sor.u32 $0x40, s18  }
0x38: {  	s17 =	smul.u32 $0x10200, s17;
	v0 =	vld [tilespmem:s19+$0x30]  }
0x39: {  	v3 =	vld [tilespmem:s19+$0xFFFFFFD0]  }
0x3a: {  	s17 =	sshrl.u32 s17, $0x2;
	v4 =	vld [tilespmem:s19+$0xFFFFFFE0]  }
0x3b: {  	v5 =	vld [tilespmem:s19+$0xFFFFFFF0];
	s18 =	sor.u32 $0x8000, s17  }
0x3c: {  	s31 =	sand.u32 $0x1, s13;
	v1 =	vld [tilespmem:s19+$0x0];
	s20 =	sadd.s32 $0x0, s18  }
0x3d: {  	v2 =	vld [tilespmem:s19+$0x10];
	s17 =	smul.u32 $0x10200, s31;
	[tilespmem:s20+$0x3870 ss:$0x81] =	vst.msk $0xffff, v0  }
0x3e: {  	[tilespmem:s20+$0x810 ss:$0x81] =	vst.msk $0xffff, v3;
	v3 =	vld [tilespmem:s19+$0x20]  }
0x3f: {  	s17 =	sshrl.u32 s17, $0x2;
	v0 =	vld [tilespmem:s19+$0xFFFFFFC0];
	[tilespmem:s20+$0x1020 ss:$0x81] =	vst.msk $0xffff, v4;
	s19 =	sadd.s32 $0x80, s19  }
0x40: {  	s21 =	simm.s32 $0x4;
	s22 =	simm.s32 $0x8;
	s17 =	sor.u32 $0x8000, s17;
	[tilespmem:s20+$0x1830 ss:$0x81] =	vst.msk $0xffff, v5;
	v4 =	vld [tilespmem:s19+$0x30]  }
.LBB1_3:
0x41: {  	p1 =	sne.s32 s22, $0x1FC;
	v5 =	vld [tilespmem:s19+$0xFFFFFFD0];
	[tilespmem:s20+$0x2040 ss:$0x81] =	vst.msk $0xffff, v1  }
0x42: {  	v6 =	vld [tilespmem:s19+$0xFFFFFFE0];
	[tilespmem:s20+$0x2850 ss:$0x81] =	vst.msk $0xffff, v2  }
0x43: {  	s23 =	sshra.s32 s21, $0x2;
	s21 =	smov.u32 s22;
	v7 =	vld [tilespmem:s19+$0xFFFFFFF0];
	[tilespmem:s20+$0x3060 ss:$0x81] =	vst.msk $0xffff, v3  }
.Ltmp3:
0x44: {  	v1 =	vld [tilespmem:s19+$0x0];
	[tilespmem:s20+$0x0 ss:$0x81] =	vst.msk $0xffff, v0;
	s20 =	sadd.s32 s23, s18;
	(pc) =	sbr.rel @p1 .LBB1_3-.Ltmp3, $4  }
0x45: {  	v2 =	vld [tilespmem:s19+$0x10];
	[tilespmem:s20+$0x3870 ss:$0x81] =	vst.msk $0xffff, v4  }
0x46: {  	[tilespmem:s20+$0x810 ss:$0x81] =	vst.msk $0xffff, v5;
	v3 =	vld [tilespmem:s19+$0x20]  }
0x47: {  	v0 =	vld [tilespmem:s19+$0xFFFFFFC0];
	[tilespmem:s20+$0x1020 ss:$0x81] =	vst.msk $0xffff, v6;
	s19 =	sadd.s32 $0x80, s19  }
0x48: {  	s22 =	sadd.s32 $0x4, s22;
	v4 =	vld [tilespmem:s19+$0x30];
	[tilespmem:s20+$0x1830 ss:$0x81] =	vst.msk $0xffff, v7  }
.Ltmp4:
0x49: {  	_ = 	snop;
	(pc) =	sbr.rel .LBB1_4-.Ltmp4, $1  }
0x4a: {  	_ =	sdelay $0x3  }
.LBB1_6:
0x4b: {  	_ =	sfence.sel $0x180000  }
0x4c: {  	s2 =	simm.s32 $0x1;
	[bflag:$0x0] =	sbarrier.arrive $0xFFFF  }
0x4d: {  	s31 =	simm.s32 $0x2;
	[sflag:s2] =	ssyncpa.u1 $0x1  }
0x4e: {  	[sflag:s31] =	ssyncpa.u1 $0x1  }
0x4f: {  	p0 =	sne.s32 s0, $0x0;
	_ =	strace $0x9000004A  }
0x50: {  	s0 =	sadd.s32 @!p0 $0x100000, s1;
	[bflag:$0x2] =	sbarrier.arrive $0xFFFF  }
0x51: {  	[sflag:s0] =	ssyncadd.tile.s32 @!p0 $0x1;
	_ =	shalt  }
.Lfunc_end1:
_tile_overlayer_lowered:
.L_overlay_start_2:
0x52: {  	(tag) =	ssettag $0x2  }
0x53: {  	s0 =	rddreg [dreg:$0x0];
	s2 =	stileid.u32  }
0x54: {  	s1 =	rddreg [dreg:$0x1];
	p0 =	sne.s32 s2, $0x0  }
0x55: {  	s3 =	rddreg [dreg:$0x2];
	[bflag:$0x3] =	sbarrier.arrive $0xFFFF;
	s2 =	simm.s32 @!p0 $0x1C01  }
0x56: {  	[timem:s3], [sflag:s2] =	dma.local @!p0 [hbm:s0], s1  }
0x57: {  	s0 =	simm.s32 @!p0 $0x1  }
0x58: {  	_ =	swait.ge @!p0 [sflag:s0], s1  }
0x59: {  	s1 =	ssub.s32 @!p0 $0x0, s1;
	[sflag:s0] =	ssyncset.done @!p0 $0x0  }
0x5a: {  	[sflag:s0] =	ssyncadd.s32 @!p0 s1  }
0x5b: {  	[bflag:$0x3] =	sbarrier.arrive $0xFFFF  }
0x5c: {  	_ =	shalt  }

</sc_bundles>
